<compile_context>
chip_gen: v7x
topology: tpu7x:2x2x1
jax: 0.10.2.dev20260603
libtpu: 0.0.44.dev20260713+nightly
codegen_flags: <defaults>
</compile_context>

<pallas_src>
import functools

import jax
import jax.numpy as jnp
from jax import lax
from jax.experimental import pallas as pl
from jax.experimental.pallas import tpu as pltpu
from jax.experimental.pallas import tpu_sc as plsc

NC = 2
NS = 16
NW = NC * NS
CH = 128
NBUF = 2


def _mesh():
    return plsc.VectorSubcoreMesh(
        core_axis_name="c", subcore_axis_name="s", num_cores=NC,
        num_subcores=NS)


@functools.lru_cache(maxsize=None)
def _sc_degree(n_pad, nch):
    rows_pt = n_pad // NS

    def body(row_hbm, ones_hbm, zrow_hbm, degp0_hbm, degp1_hbm, ones_v,
             idx_v, deg_sh, sem):
        c = lax.axis_index("c")
        s = lax.axis_index("s")
        wid = s * NC + c
        pltpu.sync_copy(zrow_hbm, deg_sh.at[pl.ds(s * rows_pt, rows_pt)])
        pltpu.sync_copy(ones_hbm, ones_v)
        pltpu.sync_copy(row_hbm.at[wid], idx_v)
        plsc.subcore_barrier()

        def group(g, carry):
            for k in range(8):
                pltpu.async_copy(ones_v, deg_sh.at[idx_v.at[g * 8 + k]], sem,
                                 add=True)
            for k in range(8):
                pltpu.make_async_copy(
                    ones_v, deg_sh.at[idx_v.at[g * 8 + k]], sem).wait()
            return carry

        lax.fori_loop(0, nch // 8, group, 0)
        plsc.subcore_barrier()

        @pl.when(c == 0)
        def _():
            pltpu.sync_copy(deg_sh.at[pl.ds(s * rows_pt, rows_pt)],
                            degp0_hbm.at[pl.ds(s * rows_pt, rows_pt)])

        @pl.when(c == 1)
        def _():
            pltpu.sync_copy(deg_sh.at[pl.ds(s * rows_pt, rows_pt)],
                            degp1_hbm.at[pl.ds(s * rows_pt, rows_pt)])

    return pl.kernel(
        body,
        out_type=(jax.ShapeDtypeStruct((n_pad,), jnp.float32),
                  jax.ShapeDtypeStruct((n_pad,), jnp.float32)),
        mesh=_mesh(),
        scratch_types=[
            pltpu.VMEM((CH,), jnp.float32),
            pltpu.VMEM((nch, CH), jnp.int32),
            pltpu.VMEM_SHARED((n_pad,), jnp.float32),
            pltpu.SemaphoreType.DMA,
        ],
    )


@functools.lru_cache(maxsize=None)
def _sc_spmm(n_pad, f, nch):
    rows_pt = n_pad // NS

    def body(tab_hbm, row_hbm, col_hbm, zblk_hbm, outp0_hbm, outp1_hbm,
             cidx_v, ridx_v, bufs, acc_sh, csem, gsems, rsems):
        c = lax.axis_index("c")
        s = lax.axis_index("s")
        wid = s * NC + c
        cpre = pltpu.async_copy(col_hbm.at[wid], cidx_v, csem)
        for k in range(NBUF):
            pltpu.async_copy(row_hbm.at[wid, k], ridx_v.at[k], rsems[k])
        pltpu.sync_copy(zblk_hbm, acc_sh.at[pl.ds(s * rows_pt, rows_pt)])
        cpre.wait()
        plsc.subcore_barrier()

        for k in range(NBUF):
            pltpu.async_copy(tab_hbm.at[cidx_v.at[k]], bufs[k], gsems[k])

        def pair(j, carry):
            base = j * NBUF
            for k in range(NBUF):
                ch = base + k
                pltpu.make_async_copy(
                    tab_hbm.at[cidx_v.at[ch]], bufs[k], gsems[k]).wait()
                pltpu.make_async_copy(
                    row_hbm.at[wid, ch], ridx_v.at[k], rsems[k]).wait()
                pltpu.sync_copy(bufs[k], acc_sh.at[ridx_v.at[k]], add=True)

                @pl.when(ch + NBUF < nch)
                def _():
                    pltpu.async_copy(tab_hbm.at[cidx_v.at[ch + NBUF]],
                                     bufs[k], gsems[k])
                    pltpu.async_copy(row_hbm.at[wid, ch + NBUF],
                                     ridx_v.at[k], rsems[k])
            return carry

        lax.fori_loop(0, nch // NBUF, pair, 0)
        plsc.subcore_barrier()

        @pl.when(c == 0)
        def _():
            pltpu.sync_copy(acc_sh.at[pl.ds(s * rows_pt, rows_pt)],
                            outp0_hbm.at[pl.ds(s * rows_pt, rows_pt)])

        @pl.when(c == 1)
        def _():
            pltpu.sync_copy(acc_sh.at[pl.ds(s * rows_pt, rows_pt)],
                            outp1_hbm.at[pl.ds(s * rows_pt, rows_pt)])

    return pl.kernel(
        body,
        out_type=(jax.ShapeDtypeStruct((n_pad, f), jnp.float32),
                  jax.ShapeDtypeStruct((n_pad, f), jnp.float32)),
        mesh=_mesh(),
        scratch_types=[
            pltpu.VMEM((nch, CH), jnp.int32),
            pltpu.VMEM((NBUF, CH), jnp.int32),
            [pltpu.VMEM((CH, f), jnp.float32)] * NBUF,
            pltpu.VMEM_SHARED((n_pad, f), jnp.float32),
            pltpu.SemaphoreType.DMA,
            [pltpu.SemaphoreType.DMA] * NBUF,
            [pltpu.SemaphoreType.DMA] * NBUF,
        ],
    )


def _dis(degpt_ref):
    d = degpt_ref[:, 0:1] + degpt_ref[:, 1:2]
    return jnp.where(d > 0, lax.rsqrt(d), 0.0)


_HI = jax.lax.Precision.HIGHEST


def _prep_body(x_ref, degpt_ref, u_ref):
    u_ref[...] = x_ref[...] * _dis(degpt_ref)


def _mid_body(vp0_ref, vp1_ref, degpt_ref, t1_ref, w_ref):
    dis = _dis(degpt_ref)
    t1 = -((vp0_ref[...] + vp1_ref[...]) * dis)
    t1_ref[...] = t1
    w_ref[...] = t1 * dis


def _final_body(x_ref, t1_ref, zp0_ref, zp1_ref, degpt_ref, wt_ref, b_ref,
                o_ref):
    dis = _dis(degpt_ref)
    srow = -((zp0_ref[...] + zp1_ref[...]) * dis)
    acc = jnp.dot(x_ref[...], wt_ref[0] - wt_ref[2],
                  preferred_element_type=jnp.float32, precision=_HI)
    acc = acc + jnp.dot(t1_ref[...], wt_ref[1],
                        preferred_element_type=jnp.float32, precision=_HI)
    acc = acc + jnp.dot(srow, 2.0 * wt_ref[2],
                        preferred_element_type=jnp.float32, precision=_HI)
    o_ref[...] = acc + b_ref[...]


def _row_blk(tb, f):
    return pl.BlockSpec((tb, f), lambda i: (i, 0))


def kernel(x, index, weight, bias):
    n, f = x.shape
    e = index.shape[1]
    blk = NS * 8 * 5 * 2
    n_pad = ((n + blk - 1) // blk) * blk
    tb = n // 5
    grid = (n // tb,)
    nch = -(-e // (NW * CH))
    nch = ((nch + 7) // 8) * 8
    e_pad = NW * nch * CH
    pad_i = jnp.arange(e_pad - e, dtype=jnp.int32)
    row = jnp.concatenate(
        [index[0], n + pad_i % (n_pad - n)]).reshape(NW, nch, CH)
    col = jnp.concatenate([index[1], pad_i % n]).reshape(NW, nch, CH)

    ones_row = jnp.ones((CH,), jnp.float32)
    zero_row = jnp.zeros((n_pad // NS,), jnp.float32)
    zero_blk = jnp.zeros((n_pad // NS, f), jnp.float32)

    d0, d1 = _sc_degree(n_pad, nch)(row, ones_row, zero_row)
    degpt = jnp.stack([d0[:n], d1[:n]], axis=1)

    wt_spec = pl.BlockSpec((3, f, f), lambda i: (0, 0, 0))

    u = pl.pallas_call(
        _prep_body,
        grid=grid,
        in_specs=[_row_blk(tb, f), _row_blk(tb, 2)],
        out_specs=_row_blk(tb, f),
        out_shape=jax.ShapeDtypeStruct((n, f), jnp.float32),
    )(x, degpt)

    v0, v1 = _sc_spmm(n_pad, f, nch)(u, row, col, zero_blk)

    t1, w = pl.pallas_call(
        _mid_body,
        grid=grid,
        in_specs=[_row_blk(tb, f), _row_blk(tb, f), _row_blk(tb, 2)],
        out_specs=(_row_blk(tb, f), _row_blk(tb, f)),
        out_shape=(jax.ShapeDtypeStruct((n, f), jnp.float32),
                   jax.ShapeDtypeStruct((n, f), jnp.float32)),
    )(v0, v1, degpt)

    z0, z1 = _sc_spmm(n_pad, f, nch)(w, row, col, zero_blk)

    out = pl.pallas_call(
        _final_body,
        grid=grid,
        in_specs=[_row_blk(tb, f), _row_blk(tb, f), _row_blk(tb, f),
                  _row_blk(tb, f), _row_blk(tb, 2), wt_spec,
                  pl.BlockSpec((1, f), lambda i: (0, 0))],
        out_specs=_row_blk(tb, f),
        out_shape=jax.ShapeDtypeStruct((n, f), jnp.float32),
    )(x, t1, z0, z1, degpt, weight, bias.reshape(1, f))
    return out

# --- scband reference (transcript-rebuilt; emitter-appended) ---
"""Pipeline reference for scband-cheb-conv-46205258170515 (READ-ONLY COPY).

The authoritative reference and input builder live on the scoring server;
editing this copy changes nothing except your own understanding.
"""

import jax, jax.numpy as jnp
import numpy as np

N = 10000
E = 320000
IN_F = 128
OUT_F = 128
K = 3


def setup_inputs(seed: int = 0) -> dict:
    key = jax.random.key(seed)
    k1, k2, k3, k4 = jax.random.split(key, 4)
    x = jax.random.normal(k1, (N, IN_F), dtype=jnp.float32)
    index = jax.random.randint(k2, (2, E), 0, N, dtype=jnp.int32)
    bound = 1.0 / np.sqrt(K * IN_F)
    weight = jax.random.uniform(k3, (K, IN_F, OUT_F), dtype=jnp.float32, minval=-bound, maxval=bound)
    bias = jax.random.uniform(k4, (OUT_F,), dtype=jnp.float32, minval=-bound, maxval=bound)
    return {"x": x, "index": index, "weight": weight, "bias": bias}


def reference(x, index, weight, bias):
    row = index[0]
    col = index[1]
    num_nodes = x.shape[0]
    kernel_size = weight.shape[0]
    # degree of destination (row) nodes
    deg = jnp.zeros((num_nodes,), dtype=x.dtype).at[row].add(1.0)
    deg_inv_sqrt = jnp.where(deg > 0, deg ** -0.5, 0.0)
    # edge weights of rescaled Laplacian: -D^{-1/2} A D^{-1/2}
    lap = -deg_inv_sqrt[row] * deg_inv_sqrt[col]

    def spmm(mat):
        # (sparse L) @ mat : gather sources, weight by lap, scatter-add to rows
        return jax.ops.segment_sum(lap[:, None] * mat[col], row, num_segments=num_nodes)

    Tx_0 = x
    out = Tx_0 @ weight[0]
    Tx_1 = spmm(x)
    out = out + Tx_1 @ weight[1]
    Tx_prev, Tx_cur = Tx_0, Tx_1
    for k in range(2, kernel_size):
        Tx_new = 2.0 * spmm(Tx_cur) - Tx_prev
        out = out + Tx_new @ weight[k]
        Tx_prev, Tx_cur = Tx_cur, Tx_new
    out = out + bias
    return out

if __name__ == "__main__":
    import jax
    _d = setup_inputs()
    print(jax.jit(kernel)(*tuple(_d.values())))

</pallas_src>

<mosaic_0001>
#map = affine_map<(d0, d1) -> (0, 0, 0)>
#map1 = affine_map<(d0, d1) -> (0)>
module attributes {stable_mosaic.version = 14 : i64} {
  func.func @body(%arg0: i32, %arg1: i32, %arg2: memref<32x80x128xi32, #tpu.memory_space<hbm>>, %arg3: memref<128xf32, #tpu.memory_space<hbm>>, %arg4: memref<640xf32, #tpu.memory_space<hbm>>, %arg5: memref<10240xf32, #tpu.memory_space<hbm>>, %arg6: memref<10240xf32, #tpu.memory_space<hbm>>, %arg7: memref<128xf32, #tpu.memory_space<vmem>>, %arg8: memref<80x128xi32, #tpu.memory_space<vmem>>, %arg9: memref<10240xf32, #tpu.memory_space<vmem_shared>>, %arg10: memref<!tpu.dma_semaphore, #tpu.memory_space<semaphore_mem>>) attributes {dimension_semantics = [#tpu.dimension_semantics<core_parallel>, #tpu.dimension_semantics<subcore_parallel>], iteration_bounds = array<i64: 2, 16>, scalar_prefetch = 0 : i64, scratch_operands = 4 : i64, tpu.core_type = #tpu.core_type<sc_vector_subcore>, window_params = [{transform_indices = #map}, {transform_indices = #map1}, {transform_indices = #map1}, {transform_indices = #map1}, {transform_indices = #map1}]} {
    %mul3A = arith.constant 2 : i32
    %mul3A_0 = arith.muli %arg1, %mul3A : i32
    %add3A = arith.addi %mul3A_0, %arg0 : i32
    %mul3A_1 = arith.constant 640 : i32
    %mul3A_2 = arith.muli %arg1, %mul3A_1 : i32
    "tpu.region"() ({
      %run_scoped3A = tpu.sem_alloc : memref<!tpu.dma_semaphore, #tpu.memory_space<semaphore_mem>>
      %dma_start3A = tpu.memref_slice %arg9[%mul3A_2] : memref<10240xf32, #tpu.memory_space<vmem_shared>> -> memref<640xf32, #tpu.memory_space<vmem_shared>>
      tpu.enqueue_dma source(%arg4 : memref<640xf32, #tpu.memory_space<hbm>>) target(%dma_start3A : memref<640xf32, #tpu.memory_space<vmem_shared>>) target_semaphore(%run_scoped3A : memref<!tpu.dma_semaphore, #tpu.memory_space<semaphore_mem>>)
      %dma_wait3A = tpu.memref_slice %arg9[%mul3A_2] : memref<10240xf32, #tpu.memory_space<vmem_shared>> -> memref<640xf32, #tpu.memory_space<vmem_shared>>
      tpu.wait_dma2 semaphore(%run_scoped3A : memref<!tpu.dma_semaphore, #tpu.memory_space<semaphore_mem>>) src(%arg4 : memref<640xf32, #tpu.memory_space<hbm>>) dst(%dma_wait3A : memref<640xf32, #tpu.memory_space<vmem_shared>>)
      tpu.yield
    }) : () -> ()
    "tpu.region"() ({
      %run_scoped3A = tpu.sem_alloc : memref<!tpu.dma_semaphore, #tpu.memory_space<semaphore_mem>>
      tpu.enqueue_dma source(%arg3 : memref<128xf32, #tpu.memory_space<hbm>>) target(%arg7 : memref<128xf32, #tpu.memory_space<vmem>>) target_semaphore(%run_scoped3A : memref<!tpu.dma_semaphore, #tpu.memory_space<semaphore_mem>>)
      tpu.wait_dma2 semaphore(%run_scoped3A : memref<!tpu.dma_semaphore, #tpu.memory_space<semaphore_mem>>) src(%arg3 : memref<128xf32, #tpu.memory_space<hbm>>) dst(%arg7 : memref<128xf32, #tpu.memory_space<vmem>>)
      tpu.yield
    }) : () -> ()
    "tpu.region"() ({
      %run_scoped3A = tpu.sem_alloc : memref<!tpu.dma_semaphore, #tpu.memory_space<semaphore_mem>>
      %dma_start3A = arith.constant 0 : i32
      %dma_start3A_16 = arith.constant 0 : i32
      %dma_start3A_17 = tpu.memref_slice %arg2[%add3A, %dma_start3A, %dma_start3A_16] : memref<32x80x128xi32, #tpu.memory_space<hbm>> -> memref<1x80x128xi32, #tpu.memory_space<hbm>>
      %dma_start3A_18 = tpu.memref_squeeze %dma_start3A_17 : memref<1x80x128xi32, #tpu.memory_space<hbm>> -> memref<80x128xi32, #tpu.memory_space<hbm>>
      %dma_start3A_19 = arith.constant 0 : i32
      %dma_start3A_20 = arith.constant 0 : i32
      %dma_start3A_21 = tpu.memref_slice %arg2[%add3A, %dma_start3A_19, %dma_start3A_20] : memref<32x80x128xi32, #tpu.memory_space<hbm>> -> memref<1x80x128xi32, #tpu.memory_space<hbm>>
      %dma_start3A_22 = tpu.memref_squeeze %dma_start3A_21 : memref<1x80x128xi32, #tpu.memory_space<hbm>> -> memref<80x128xi32, #tpu.memory_space<hbm>>
      tpu.enqueue_dma source(%dma_start3A_22 : memref<80x128xi32, #tpu.memory_space<hbm>>) target(%arg8 : memref<80x128xi32, #tpu.memory_space<vmem>>) target_semaphore(%run_scoped3A : memref<!tpu.dma_semaphore, #tpu.memory_space<semaphore_mem>>)
      %dma_wait3A = arith.constant 0 : i32
      %dma_wait3A_23 = arith.constant 0 : i32
      %dma_wait3A_24 = tpu.memref_slice %arg2[%add3A, %dma_wait3A, %dma_wait3A_23] : memref<32x80x128xi32, #tpu.memory_space<hbm>> -> memref<1x80x128xi32, #tpu.memory_space<hbm>>
      %dma_wait3A_25 = tpu.memref_squeeze %dma_wait3A_24 : memref<1x80x128xi32, #tpu.memory_space<hbm>> -> memref<80x128xi32, #tpu.memory_space<hbm>>
      %dma_wait3A_26 = arith.constant 0 : i32
      %dma_wait3A_27 = arith.constant 0 : i32
      %dma_wait3A_28 = tpu.memref_slice %arg2[%add3A, %dma_wait3A_26, %dma_wait3A_27] : memref<32x80x128xi32, #tpu.memory_space<hbm>> -> memref<1x80x128xi32, #tpu.memory_space<hbm>>
      %dma_wait3A_29 = tpu.memref_squeeze %dma_wait3A_28 : memref<1x80x128xi32, #tpu.memory_space<hbm>> -> memref<80x128xi32, #tpu.memory_space<hbm>>
      tpu.wait_dma2 semaphore(%run_scoped3A : memref<!tpu.dma_semaphore, #tpu.memory_space<semaphore_mem>>) src(%dma_wait3A_29 : memref<80x128xi32, #tpu.memory_space<hbm>>) dst(%arg8 : memref<80x128xi32, #tpu.memory_space<vmem>>)
      tpu.yield
    }) : () -> ()
    %barrier3A = arith.constant 0 : index
    tpu.barrier barrier_id(%barrier3A)
    %scan3A = arith.constant 0 : i32
    %scan3A_3 = arith.constant 0 : i32
    %scan3A_4 = arith.constant 10 : i32
    %scan3A_5 = arith.addi %scan3A_3, %scan3A_4 : i32
    %scan3A_6 = arith.constant 1 : i32
    scf.for %scan3A_16 = %scan3A_3 to %scan3A_5 step %scan3A_6  : i32 {
      %mul3A_17 = arith.constant 8 : i32
      %mul3A_18 = arith.muli %scan3A_16, %mul3A_17 : i32
      %add3A_19 = arith.constant 0 : i32
      %add3A_20 = arith.addi %mul3A_18, %add3A_19 : i32
      %dma_start3A = arith.constant 0 : i32
      %dma_start3A_21 = tpu.memref_slice %arg8[%add3A_20, %dma_start3A] : memref<80x128xi32, #tpu.memory_space<vmem>> -> memref<1x128xi32, #tpu.memory_space<vmem>>
      %dma_start3A_22 = tpu.memref_squeeze %dma_start3A_21 : memref<1x128xi32, #tpu.memory_space<vmem>> -> memref<128xi32, #tpu.memory_space<vmem>>
      %dma_start3A_23 = arith.constant 0 : i32
      %dma_start3A_24 = tpu.memref_slice %arg9[%dma_start3A_23] : memref<10240xf32, #tpu.memory_space<vmem_shared>> -> memref<10240xf32, #tpu.memory_space<vmem_shared>>
      tpu.enqueue_indirect_dma source(%arg7 : memref<128xf32, #tpu.memory_space<vmem>>) target(%dma_start3A_24 : memref<10240xf32, #tpu.memory_space<vmem_shared>>) offsets(%dma_start3A_22 : memref<128xi32, #tpu.memory_space<vmem>>) semaphore(%arg10 : memref<!tpu.dma_semaphore, #tpu.memory_space<semaphore_mem>>) {add = true}
      %mul3A_25 = arith.constant 8 : i32
      %mul3A_26 = arith.muli %scan3A_16, %mul3A_25 : i32
      %add3A_27 = arith.constant 1 : i32
      %add3A_28 = arith.addi %mul3A_26, %add3A_27 : i32
      %dma_start3A_29 = arith.constant 0 : i32
      %dma_start3A_30 = tpu.memref_slice %arg8[%add3A_28, %dma_start3A_29] : memref<80x128xi32, #tpu.memory_space<vmem>> -> memref<1x128xi32, #tpu.memory_space<vmem>>
      %dma_start3A_31 = tpu.memref_squeeze %dma_start3A_30 : memref<1x128xi32, #tpu.memory_space<vmem>> -> memref<128xi32, #tpu.memory_space<vmem>>
      %dma_start3A_32 = arith.constant 0 : i32
      %dma_start3A_33 = tpu.memref_slice %arg9[%dma_start3A_32] : memref<10240xf32, #tpu.memory_space<vmem_shared>> -> memref<10240xf32, #tpu.memory_space<vmem_shared>>
      tpu.enqueue_indirect_dma source(%arg7 : memref<128xf32, #tpu.memory_space<vmem>>) target(%dma_start3A_33 : memref<10240xf32, #tpu.memory_space<vmem_shared>>) offsets(%dma_start3A_31 : memref<128xi32, #tpu.memory_space<vmem>>) semaphore(%arg10 : memref<!tpu.dma_semaphore, #tpu.memory_space<semaphore_mem>>) {add = true}
      %mul3A_34 = arith.constant 8 : i32
      %mul3A_35 = arith.muli %scan3A_16, %mul3A_34 : i32
      %add3A_36 = arith.constant 2 : i32
      %add3A_37 = arith.addi %mul3A_35, %add3A_36 : i32
      %dma_start3A_38 = arith.constant 0 : i32
      %dma_start3A_39 = tpu.memref_slice %arg8[%add3A_37, %dma_start3A_38] : memref<80x128xi32, #tpu.memory_space<vmem>> -> memref<1x128xi32, #tpu.memory_space<vmem>>
      %dma_start3A_40 = tpu.memref_squeeze %dma_start3A_39 : memref<1x128xi32, #tpu.memory_space<vmem>> -> memref<128xi32, #tpu.memory_space<vmem>>
      %dma_start3A_41 = arith.constant 0 : i32
      %dma_start3A_42 = tpu.memref_slice %arg9[%dma_start3A_41] : memref<10240xf32, #tpu.memory_space<vmem_shared>> -> memref<10240xf32, #tpu.memory_space<vmem_shared>>
      tpu.enqueue_indirect_dma source(%arg7 : memref<128xf32, #tpu.memory_space<vmem>>) target(%dma_start3A_42 : memref<10240xf32, #tpu.memory_space<vmem_shared>>) offsets(%dma_start3A_40 : memref<128xi32, #tpu.memory_space<vmem>>) semaphore(%arg10 : memref<!tpu.dma_semaphore, #tpu.memory_space<semaphore_mem>>) {add = true}
      %mul3A_43 = arith.constant 8 : i32
      %mul3A_44 = arith.muli %scan3A_16, %mul3A_43 : i32
      %add3A_45 = arith.constant 3 : i32
      %add3A_46 = arith.addi %mul3A_44, %add3A_45 : i32
      %dma_start3A_47 = arith.constant 0 : i32
      %dma_start3A_48 = tpu.memref_slice %arg8[%add3A_46, %dma_start3A_47] : memref<80x128xi32, #tpu.memory_space<vmem>> -> memref<1x128xi32, #tpu.memory_space<vmem>>
      %dma_start3A_49 = tpu.memref_squeeze %dma_start3A_48 : memref<1x128xi32, #tpu.memory_space<vmem>> -> memref<128xi32, #tpu.memory_space<vmem>>
      %dma_start3A_50 = arith.constant 0 : i32
      %dma_start3A_51 = tpu.memref_slice %arg9[%dma_start3A_50] : memref<10240xf32, #tpu.memory_space<vmem_shared>> -> memref<10240xf32, #tpu.memory_space<vmem_shared>>
      tpu.enqueue_indirect_dma source(%arg7 : memref<128xf32, #tpu.memory_space<vmem>>) target(%dma_start3A_51 : memref<10240xf32, #tpu.memory_space<vmem_shared>>) offsets(%dma_start3A_49 : memref<128xi32, #tpu.memory_space<vmem>>) semaphore(%arg10 : memref<!tpu.dma_semaphore, #tpu.memory_space<semaphore_mem>>) {add = true}
      %mul3A_52 = arith.constant 8 : i32
      %mul3A_53 = arith.muli %scan3A_16, %mul3A_52 : i32
      %add3A_54 = arith.constant 4 : i32
      %add3A_55 = arith.addi %mul3A_53, %add3A_54 : i32
      %dma_start3A_56 = arith.constant 0 : i32
      %dma_start3A_57 = tpu.memref_slice %arg8[%add3A_55, %dma_start3A_56] : memref<80x128xi32, #tpu.memory_space<vmem>> -> memref<1x128xi32, #tpu.memory_space<vmem>>
      %dma_start3A_58 = tpu.memref_squeeze %dma_start3A_57 : memref<1x128xi32, #tpu.memory_space<vmem>> -> memref<128xi32, #tpu.memory_space<vmem>>
      %dma_start3A_59 = arith.constant 0 : i32
      %dma_start3A_60 = tpu.memref_slice %arg9[%dma_start3A_59] : memref<10240xf32, #tpu.memory_space<vmem_shared>> -> memref<10240xf32, #tpu.memory_space<vmem_shared>>
      tpu.enqueue_indirect_dma source(%arg7 : memref<128xf32, #tpu.memory_space<vmem>>) target(%dma_start3A_60 : memref<10240xf32, #tpu.memory_space<vmem_shared>>) offsets(%dma_start3A_58 : memref<128xi32, #tpu.memory_space<vmem>>) semaphore(%arg10 : memref<!tpu.dma_semaphore, #tpu.memory_space<semaphore_mem>>) {add = true}
      %mul3A_61 = arith.constant 8 : i32
      %mul3A_62 = arith.muli %scan3A_16, %mul3A_61 : i32
      %add3A_63 = arith.constant 5 : i32
      %add3A_64 = arith.addi %mul3A_62, %add3A_63 : i32
      %dma_start3A_65 = arith.constant 0 : i32
      %dma_start3A_66 = tpu.memref_slice %arg8[%add3A_64, %dma_start3A_65] : memref<80x128xi32, #tpu.memory_space<vmem>> -> memref<1x128xi32, #tpu.memory_space<vmem>>
      %dma_start3A_67 = tpu.memref_squeeze %dma_start3A_66 : memref<1x128xi32, #tpu.memory_space<vmem>> -> memref<128xi32, #tpu.memory_space<vmem>>
      %dma_start3A_68 = arith.constant 0 : i32
      %dma_start3A_69 = tpu.memref_slice %arg9[%dma_start3A_68] : memref<10240xf32, #tpu.memory_space<vmem_shared>> -> memref<10240xf32, #tpu.memory_space<vmem_shared>>
      tpu.enqueue_indirect_dma source(%arg7 : memref<128xf32, #tpu.memory_space<vmem>>) target(%dma_start3A_69 : memref<10240xf32, #tpu.memory_space<vmem_shared>>) offsets(%dma_start3A_67 : memref<128xi32, #tpu.memory_space<vmem>>) semaphore(%arg10 : memref<!tpu.dma_semaphore, #tpu.memory_space<semaphore_mem>>) {add = true}
      %mul3A_70 = arith.constant 8 : i32
      %mul3A_71 = arith.muli %scan3A_16, %mul3A_70 : i32
      %add3A_72 = arith.constant 6 : i32
      %add3A_73 = arith.addi %mul3A_71, %add3A_72 : i32
      %dma_start3A_74 = arith.constant 0 : i32
      %dma_start3A_75 = tpu.memref_slice %arg8[%add3A_73, %dma_start3A_74] : memref<80x128xi32, #tpu.memory_space<vmem>> -> memref<1x128xi32, #tpu.memory_space<vmem>>
      %dma_start3A_76 = tpu.memref_squeeze %dma_start3A_75 : memref<1x128xi32, #tpu.memory_space<vmem>> -> memref<128xi32, #tpu.memory_space<vmem>>
      %dma_start3A_77 = arith.constant 0 : i32
      %dma_start3A_78 = tpu.memref_slice %arg9[%dma_start3A_77] : memref<10240xf32, #tpu.memory_space<vmem_shared>> -> memref<10240xf32, #tpu.memory_space<vmem_shared>>
      tpu.enqueue_indirect_dma source(%arg7 : memref<128xf32, #tpu.memory_space<vmem>>) target(%dma_start3A_78 : memref<10240xf32, #tpu.memory_space<vmem_shared>>) offsets(%dma_start3A_76 : memref<128xi32, #tpu.memory_space<vmem>>) semaphore(%arg10 : memref<!tpu.dma_semaphore, #tpu.memory_space<semaphore_mem>>) {add = true}
      %mul3A_79 = arith.constant 8 : i32
      %mul3A_80 = arith.muli %scan3A_16, %mul3A_79 : i32
      %add3A_81 = arith.constant 7 : i32
      %add3A_82 = arith.addi %mul3A_80, %add3A_81 : i32
      %dma_start3A_83 = arith.constant 0 : i32
      %dma_start3A_84 = tpu.memref_slice %arg8[%add3A_82, %dma_start3A_83] : memref<80x128xi32, #tpu.memory_space<vmem>> -> memref<1x128xi32, #tpu.memory_space<vmem>>
      %dma_start3A_85 = tpu.memref_squeeze %dma_start3A_84 : memref<1x128xi32, #tpu.memory_space<vmem>> -> memref<128xi32, #tpu.memory_space<vmem>>
      %dma_start3A_86 = arith.constant 0 : i32
      %dma_start3A_87 = tpu.memref_slice %arg9[%dma_start3A_86] : memref<10240xf32, #tpu.memory_space<vmem_shared>> -> memref<10240xf32, #tpu.memory_space<vmem_shared>>
      tpu.enqueue_indirect_dma source(%arg7 : memref<128xf32, #tpu.memory_space<vmem>>) target(%dma_start3A_87 : memref<10240xf32, #tpu.memory_space<vmem_shared>>) offsets(%dma_start3A_85 : memref<128xi32, #tpu.memory_space<vmem>>) semaphore(%arg10 : memref<!tpu.dma_semaphore, #tpu.memory_space<semaphore_mem>>) {add = true}
      %mul3A_88 = arith.constant 8 : i32
      %mul3A_89 = arith.muli %scan3A_16, %mul3A_88 : i32
      %add3A_90 = arith.constant 0 : i32
      %add3A_91 = arith.addi %mul3A_89, %add3A_90 : i32
      %dma_wait3A = arith.constant 0 : i32
      %dma_wait3A_92 = tpu.memref_slice %arg8[%add3A_91, %dma_wait3A] : memref<80x128xi32, #tpu.memory_space<vmem>> -> memref<1x128xi32, #tpu.memory_space<vmem>>
      %dma_wait3A_93 = tpu.memref_squeeze %dma_wait3A_92 : memref<1x128xi32, #tpu.memory_space<vmem>> -> memref<128xi32, #tpu.memory_space<vmem>>
      %dma_wait3A_94 = arith.constant 0 : i32
      %dma_wait3A_95 = tpu.memref_slice %arg9[%dma_wait3A_94] : memref<10240xf32, #tpu.memory_space<vmem_shared>> -> memref<10240xf32, #tpu.memory_space<vmem_shared>>
      tpu.wait_indirect_dma semaphore(%arg10 : memref<!tpu.dma_semaphore, #tpu.memory_space<semaphore_mem>>) src(%arg7 : memref<128xf32, #tpu.memory_space<vmem>>) dst(%dma_wait3A_95 : memref<10240xf32, #tpu.memory_space<vmem_shared>>)
      %mul3A_96 = arith.constant 8 : i32
      %mul3A_97 = arith.muli %scan3A_16, %mul3A_96 : i32
      %add3A_98 = arith.constant 1 : i32
      %add3A_99 = arith.addi %mul3A_97, %add3A_98 : i32
      %dma_wait3A_100 = arith.constant 0 : i32
      %dma_wait3A_101 = tpu.memref_slice %arg8[%add3A_99, %dma_wait3A_100] : memref<80x128xi32, #tpu.memory_space<vmem>> -> memref<1x128xi32, #tpu.memory_space<vmem>>
      %dma_wait3A_102 = tpu.memref_squeeze %dma_wait3A_101 : memref<1x128xi32, #tpu.memory_space<vmem>> -> memref<128xi32, #tpu.memory_space<vmem>>
      %dma_wait3A_103 = arith.constant 0 : i32
      %dma_wait3A_104 = tpu.memref_slice %arg9[%dma_wait3A_103] : memref<10240xf32, #tpu.memory_space<vmem_shared>> -> memref<10240xf32, #tpu.memory_space<vmem_shared>>
      tpu.wait_indirect_dma semaphore(%arg10 : memref<!tpu.dma_semaphore, #tpu.memory_space<semaphore_mem>>) src(%arg7 : memref<128xf32, #tpu.memory_space<vmem>>) dst(%dma_wait3A_104 : memref<10240xf32, #tpu.memory_space<vmem_shared>>)
      %mul3A_105 = arith.constant 8 : i32
      %mul3A_106 = arith.muli %scan3A_16, %mul3A_105 : i32
      %add3A_107 = arith.constant 2 : i32
      %add3A_108 = arith.addi %mul3A_106, %add3A_107 : i32
      %dma_wait3A_109 = arith.constant 0 : i32
      %dma_wait3A_110 = tpu.memref_slice %arg8[%add3A_108, %dma_wait3A_109] : memref<80x128xi32, #tpu.memory_space<vmem>> -> memref<1x128xi32, #tpu.memory_space<vmem>>
      %dma_wait3A_111 = tpu.memref_squeeze %dma_wait3A_110 : memref<1x128xi32, #tpu.memory_space<vmem>> -> memref<128xi32, #tpu.memory_space<vmem>>
      %dma_wait3A_112 = arith.constant 0 : i32
      %dma_wait3A_113 = tpu.memref_slice %arg9[%dma_wait3A_112] : memref<10240xf32, #tpu.memory_space<vmem_shared>> -> memref<10240xf32, #tpu.memory_space<vmem_shared>>
      tpu.wait_indirect_dma semaphore(%arg10 : memref<!tpu.dma_semaphore, #tpu.memory_space<semaphore_mem>>) src(%arg7 : memref<128xf32, #tpu.memory_space<vmem>>) dst(%dma_wait3A_113 : memref<10240xf32, #tpu.memory_space<vmem_shared>>)
      %mul3A_114 = arith.constant 8 : i32
      %mul3A_115 = arith.muli %scan3A_16, %mul3A_114 : i32
      %add3A_116 = arith.constant 3 : i32
      %add3A_117 = arith.addi %mul3A_115, %add3A_116 : i32
      %dma_wait3A_118 = arith.constant 0 : i32
      %dma_wait3A_119 = tpu.memref_slice %arg8[%add3A_117, %dma_wait3A_118] : memref<80x128xi32, #tpu.memory_space<vmem>> -> memref<1x128xi32, #tpu.memory_space<vmem>>
      %dma_wait3A_120 = tpu.memref_squeeze %dma_wait3A_119 : memref<1x128xi32, #tpu.memory_space<vmem>> -> memref<128xi32, #tpu.memory_space<vmem>>
      %dma_wait3A_121 = arith.constant 0 : i32
      %dma_wait3A_122 = tpu.memref_slice %arg9[%dma_wait3A_121] : memref<10240xf32, #tpu.memory_space<vmem_shared>> -> memref<10240xf32, #tpu.memory_space<vmem_shared>>
      tpu.wait_indirect_dma semaphore(%arg10 : memref<!tpu.dma_semaphore, #tpu.memory_space<semaphore_mem>>) src(%arg7 : memref<128xf32, #tpu.memory_space<vmem>>) dst(%dma_wait3A_122 : memref<10240xf32, #tpu.memory_space<vmem_shared>>)
      %mul3A_123 = arith.constant 8 : i32
      %mul3A_124 = arith.muli %scan3A_16, %mul3A_123 : i32
      %add3A_125 = arith.constant 4 : i32
      %add3A_126 = arith.addi %mul3A_124, %add3A_125 : i32
      %dma_wait3A_127 = arith.constant 0 : i32
      %dma_wait3A_128 = tpu.memref_slice %arg8[%add3A_126, %dma_wait3A_127] : memref<80x128xi32, #tpu.memory_space<vmem>> -> memref<1x128xi32, #tpu.memory_space<vmem>>
      %dma_wait3A_129 = tpu.memref_squeeze %dma_wait3A_128 : memref<1x128xi32, #tpu.memory_space<vmem>> -> memref<128xi32, #tpu.memory_space<vmem>>
      %dma_wait3A_130 = arith.constant 0 : i32
      %dma_wait3A_131 = tpu.memref_slice %arg9[%dma_wait3A_130] : memref<10240xf32, #tpu.memory_space<vmem_shared>> -> memref<10240xf32, #tpu.memory_space<vmem_shared>>
      tpu.wait_indirect_dma semaphore(%arg10 : memref<!tpu.dma_semaphore, #tpu.memory_space<semaphore_mem>>) src(%arg7 : memref<128xf32, #tpu.memory_space<vmem>>) dst(%dma_wait3A_131 : memref<10240xf32, #tpu.memory_space<vmem_shared>>)
      %mul3A_132 = arith.constant 8 : i32
      %mul3A_133 = arith.muli %scan3A_16, %mul3A_132 : i32
      %add3A_134 = arith.constant 5 : i32
      %add3A_135 = arith.addi %mul3A_133, %add3A_134 : i32
      %dma_wait3A_136 = arith.constant 0 : i32
      %dma_wait3A_137 = tpu.memref_slice %arg8[%add3A_135, %dma_wait3A_136] : memref<80x128xi32, #tpu.memory_space<vmem>> -> memref<1x128xi32, #tpu.memory_space<vmem>>
      %dma_wait3A_138 = tpu.memref_squeeze %dma_wait3A_137 : memref<1x128xi32, #tpu.memory_space<vmem>> -> memref<128xi32, #tpu.memory_space<vmem>>
      %dma_wait3A_139 = arith.constant 0 : i32
      %dma_wait3A_140 = tpu.memref_slice %arg9[%dma_wait3A_139] : memref<10240xf32, #tpu.memory_space<vmem_shared>> -> memref<10240xf32, #tpu.memory_space<vmem_shared>>
      tpu.wait_indirect_dma semaphore(%arg10 : memref<!tpu.dma_semaphore, #tpu.memory_space<semaphore_mem>>) src(%arg7 : memref<128xf32, #tpu.memory_space<vmem>>) dst(%dma_wait3A_140 : memref<10240xf32, #tpu.memory_space<vmem_shared>>)
      %mul3A_141 = arith.constant 8 : i32
      %mul3A_142 = arith.muli %scan3A_16, %mul3A_141 : i32
      %add3A_143 = arith.constant 6 : i32
      %add3A_144 = arith.addi %mul3A_142, %add3A_143 : i32
      %dma_wait3A_145 = arith.constant 0 : i32
      %dma_wait3A_146 = tpu.memref_slice %arg8[%add3A_144, %dma_wait3A_145] : memref<80x128xi32, #tpu.memory_space<vmem>> -> memref<1x128xi32, #tpu.memory_space<vmem>>
      %dma_wait3A_147 = tpu.memref_squeeze %dma_wait3A_146 : memref<1x128xi32, #tpu.memory_space<vmem>> -> memref<128xi32, #tpu.memory_space<vmem>>
      %dma_wait3A_148 = arith.constant 0 : i32
      %dma_wait3A_149 = tpu.memref_slice %arg9[%dma_wait3A_148] : memref<10240xf32, #tpu.memory_space<vmem_shared>> -> memref<10240xf32, #tpu.memory_space<vmem_shared>>
      tpu.wait_indirect_dma semaphore(%arg10 : memref<!tpu.dma_semaphore, #tpu.memory_space<semaphore_mem>>) src(%arg7 : memref<128xf32, #tpu.memory_space<vmem>>) dst(%dma_wait3A_149 : memref<10240xf32, #tpu.memory_space<vmem_shared>>)
      %mul3A_150 = arith.constant 8 : i32
      %mul3A_151 = arith.muli %scan3A_16, %mul3A_150 : i32
      %add3A_152 = arith.constant 7 : i32
      %add3A_153 = arith.addi %mul3A_151, %add3A_152 : i32
      %dma_wait3A_154 = arith.constant 0 : i32
      %dma_wait3A_155 = tpu.memref_slice %arg8[%add3A_153, %dma_wait3A_154] : memref<80x128xi32, #tpu.memory_space<vmem>> -> memref<1x128xi32, #tpu.memory_space<vmem>>
      %dma_wait3A_156 = tpu.memref_squeeze %dma_wait3A_155 : memref<1x128xi32, #tpu.memory_space<vmem>> -> memref<128xi32, #tpu.memory_space<vmem>>
      %dma_wait3A_157 = arith.constant 0 : i32
      %dma_wait3A_158 = tpu.memref_slice %arg9[%dma_wait3A_157] : memref<10240xf32, #tpu.memory_space<vmem_shared>> -> memref<10240xf32, #tpu.memory_space<vmem_shared>>
      tpu.wait_indirect_dma semaphore(%arg10 : memref<!tpu.dma_semaphore, #tpu.memory_space<semaphore_mem>>) src(%arg7 : memref<128xf32, #tpu.memory_space<vmem>>) dst(%dma_wait3A_158 : memref<10240xf32, #tpu.memory_space<vmem_shared>>)
    }
    %scan3A_7 = arith.constant 10 : i32
    %barrier3A_8 = arith.constant 0 : index
    tpu.barrier barrier_id(%barrier3A_8)
    %eq3A = arith.constant 0 : i32
    %eq3A_9 = arith.cmpi eq, %arg0, %eq3A : i32
    %convert_element_type3A = arith.extui %eq3A_9 : i1 to i32
    %cond3A = arith.constant 0 : i32
    %cond3A_10 = arith.cmpi ne, %convert_element_type3A, %cond3A : i32
    scf.if %cond3A_10 {
      %mul3A_16 = arith.constant 640 : i32
      %mul3A_17 = arith.muli %arg1, %mul3A_16 : i32
      %mul3A_18 = arith.constant 640 : i32
      %mul3A_19 = arith.muli %arg1, %mul3A_18 : i32
      "tpu.region"() ({
        %run_scoped3A = tpu.sem_alloc : memref<!tpu.dma_semaphore, #tpu.memory_space<semaphore_mem>>
        %dma_start3A = tpu.memref_slice %arg5[%mul3A_19] : memref<10240xf32, #tpu.memory_space<hbm>> -> memref<640xf32, #tpu.memory_space<hbm>>
        %dma_start3A_20 = tpu.memref_slice %arg9[%mul3A_17] : memref<10240xf32, #tpu.memory_space<vmem_shared>> -> memref<640xf32, #tpu.memory_space<vmem_shared>>
        tpu.enqueue_dma source(%dma_start3A_20 : memref<640xf32, #tpu.memory_space<vmem_shared>>) target(%dma_start3A : memref<640xf32, #tpu.memory_space<hbm>>) target_semaphore(%run_scoped3A : memref<!tpu.dma_semaphore, #tpu.memory_space<semaphore_mem>>)
        %dma_wait3A = tpu.memref_slice %arg5[%mul3A_19] : memref<10240xf32, #tpu.memory_space<hbm>> -> memref<640xf32, #tpu.memory_space<hbm>>
        %dma_wait3A_21 = tpu.memref_slice %arg9[%mul3A_17] : memref<10240xf32, #tpu.memory_space<vmem_shared>> -> memref<640xf32, #tpu.memory_space<vmem_shared>>
        tpu.wait_dma2 semaphore(%run_scoped3A : memref<!tpu.dma_semaphore, #tpu.memory_space<semaphore_mem>>) src(%dma_wait3A_21 : memref<640xf32, #tpu.memory_space<vmem_shared>>) dst(%dma_wait3A : memref<640xf32, #tpu.memory_space<hbm>>)
        tpu.yield
      }) : () -> ()
    } else {
    }
    %eq3A_11 = arith.constant 1 : i32
    %eq3A_12 = arith.cmpi eq, %arg0, %eq3A_11 : i32
    %convert_element_type3A_13 = arith.extui %eq3A_12 : i1 to i32
    %cond3A_14 = arith.constant 0 : i32
    %cond3A_15 = arith.cmpi ne, %convert_element_type3A_13, %cond3A_14 : i32
    scf.if %cond3A_15 {
      %mul3A_16 = arith.constant 640 : i32
      %mul3A_17 = arith.muli %arg1, %mul3A_16 : i32
      %mul3A_18 = arith.constant 640 : i32
      %mul3A_19 = arith.muli %arg1, %mul3A_18 : i32
      "tpu.region"() ({
        %run_scoped3A = tpu.sem_alloc : memref<!tpu.dma_semaphore, #tpu.memory_space<semaphore_mem>>
        %dma_start3A = tpu.memref_slice %arg6[%mul3A_19] : memref<10240xf32, #tpu.memory_space<hbm>> -> memref<640xf32, #tpu.memory_space<hbm>>
        %dma_start3A_20 = tpu.memref_slice %arg9[%mul3A_17] : memref<10240xf32, #tpu.memory_space<vmem_shared>> -> memref<640xf32, #tpu.memory_space<vmem_shared>>
        tpu.enqueue_dma source(%dma_start3A_20 : memref<640xf32, #tpu.memory_space<vmem_shared>>) target(%dma_start3A : memref<640xf32, #tpu.memory_space<hbm>>) target_semaphore(%run_scoped3A : memref<!tpu.dma_semaphore, #tpu.memory_space<semaphore_mem>>)
        %dma_wait3A = tpu.memref_slice %arg6[%mul3A_19] : memref<10240xf32, #tpu.memory_space<hbm>> -> memref<640xf32, #tpu.memory_space<hbm>>
        %dma_wait3A_21 = tpu.memref_slice %arg9[%mul3A_17] : memref<10240xf32, #tpu.memory_space<vmem_shared>> -> memref<640xf32, #tpu.memory_space<vmem_shared>>
        tpu.wait_dma2 semaphore(%run_scoped3A : memref<!tpu.dma_semaphore, #tpu.memory_space<semaphore_mem>>) src(%dma_wait3A_21 : memref<640xf32, #tpu.memory_space<vmem_shared>>) dst(%dma_wait3A : memref<640xf32, #tpu.memory_space<hbm>>)
        tpu.yield
      }) : () -> ()
    } else {
    }
    return
  }
}

#map = affine_map<(d0, d1) -> (0, 0)>
#map1 = affine_map<(d0, d1) -> (0, 0, 0)>
module attributes {stable_mosaic.version = 14 : i64} {
  func.func @body(%arg0: i32, %arg1: i32, %arg2: memref<10000x128xf32, #tpu.memory_space<hbm>>, %arg3: memref<32x80x128xi32, #tpu.memory_space<hbm>>, %arg4: memref<32x80x128xi32, #tpu.memory_space<hbm>>, %arg5: memref<640x128xf32, #tpu.memory_space<hbm>>, %arg6: memref<10240x128xf32, #tpu.memory_space<hbm>>, %arg7: memref<10240x128xf32, #tpu.memory_space<hbm>>, %arg8: memref<80x128xi32, #tpu.memory_space<vmem>>, %arg9: memref<2x128xi32, #tpu.memory_space<vmem>>, %arg10: memref<128x128xf32, #tpu.memory_space<vmem>>, %arg11: memref<128x128xf32, #tpu.memory_space<vmem>>, %arg12: memref<10240x128xf32, #tpu.memory_space<vmem_shared>>, %arg13: memref<!tpu.dma_semaphore, #tpu.memory_space<semaphore_mem>>, %arg14: memref<!tpu.dma_semaphore, #tpu.memory_space<semaphore_mem>>, %arg15: memref<!tpu.dma_semaphore, #tpu.memory_space<semaphore_mem>>, %arg16: memref<!tpu.dma_semaphore, #tpu.memory_space<semaphore_mem>>, %arg17: memref<!tpu.dma_semaphore, #tpu.memory_space<semaphore_mem>>) attributes {dimension_semantics = [#tpu.dimension_semantics<core_parallel>, #tpu.dimension_semantics<subcore_parallel>], iteration_bounds = array<i64: 2, 16>, scalar_prefetch = 0 : i64, scratch_operands = 10 : i64, tpu.core_type = #tpu.core_type<sc_vector_subcore>, window_params = [{transform_indices = #map}, {transform_indices = #map1}, {transform_indices = #map1}, {transform_indices = #map}, {transform_indices = #map}, {transform_indices = #map}]} {
    %mul3A = arith.constant 2 : i32
    %mul3A_0 = arith.muli %arg1, %mul3A : i32
    %add3A = arith.addi %mul3A_0, %arg0 : i32
    %dma_start3A = arith.constant 0 : i32
    %dma_start3A_1 = arith.constant 0 : i32
    %dma_start3A_2 = tpu.memref_slice %arg4[%add3A, %dma_start3A, %dma_start3A_1] : memref<32x80x128xi32, #tpu.memory_space<hbm>> -> memref<1x80x128xi32, #tpu.memory_space<hbm>>
    %dma_start3A_3 = tpu.memref_squeeze %dma_start3A_2 : memref<1x80x128xi32, #tpu.memory_space<hbm>> -> memref<80x128xi32, #tpu.memory_space<hbm>>
    %dma_start3A_4 = arith.constant 0 : i32
    %dma_start3A_5 = arith.constant 0 : i32
    %dma_start3A_6 = tpu.memref_slice %arg4[%add3A, %dma_start3A_4, %dma_start3A_5] : memref<32x80x128xi32, #tpu.memory_space<hbm>> -> memref<1x80x128xi32, #tpu.memory_space<hbm>>
    %dma_start3A_7 = tpu.memref_squeeze %dma_start3A_6 : memref<1x80x128xi32, #tpu.memory_space<hbm>> -> memref<80x128xi32, #tpu.memory_space<hbm>>
    tpu.enqueue_dma source(%dma_start3A_7 : memref<80x128xi32, #tpu.memory_space<hbm>>) target(%arg8 : memref<80x128xi32, #tpu.memory_space<vmem>>) target_semaphore(%arg13 : memref<!tpu.dma_semaphore, #tpu.memory_space<semaphore_mem>>)
    %dma_start3A_8 = arith.constant 0 : i32
    %dma_start3A_9 = arith.constant 0 : i32
    %dma_start3A_10 = arith.constant 0 : i32
    %dma_start3A_11 = tpu.memref_slice %arg9[%dma_start3A_9, %dma_start3A_10] : memref<2x128xi32, #tpu.memory_space<vmem>> -> memref<1x128xi32, #tpu.memory_space<vmem>>
    %dma_start3A_12 = tpu.memref_squeeze %dma_start3A_11 : memref<1x128xi32, #tpu.memory_space<vmem>> -> memref<128xi32, #tpu.memory_space<vmem>>
    %dma_start3A_13 = arith.constant 0 : i32
    %dma_start3A_14 = tpu.memref_slice %arg3[%add3A, %dma_start3A_8, %dma_start3A_13] : memref<32x80x128xi32, #tpu.memory_space<hbm>> -> memref<1x1x128xi32, #tpu.memory_space<hbm>>
    %dma_start3A_15 = tpu.memref_squeeze %dma_start3A_14 : memref<1x1x128xi32, #tpu.memory_space<hbm>> -> memref<128xi32, #tpu.memory_space<hbm>>
    %dma_start3A_16 = arith.constant 0 : i32
    %dma_start3A_17 = tpu.memref_slice %arg9[%dma_start3A_9, %dma_start3A_16] : memref<2x128xi32, #tpu.memory_space<vmem>> -> memref<1x128xi32, #tpu.memory_space<vmem>>
    %dma_start3A_18 = tpu.memref_squeeze %dma_start3A_17 : memref<1x128xi32, #tpu.memory_space<vmem>> -> memref<128xi32, #tpu.memory_space<vmem>>
    %dma_start3A_19 = arith.constant 0 : i32
    %dma_start3A_20 = tpu.memref_slice %arg3[%add3A, %dma_start3A_8, %dma_start3A_19] : memref<32x80x128xi32, #tpu.memory_space<hbm>> -> memref<1x1x128xi32, #tpu.memory_space<hbm>>
    %dma_start3A_21 = tpu.memref_squeeze %dma_start3A_20 : memref<1x1x128xi32, #tpu.memory_space<hbm>> -> memref<128xi32, #tpu.memory_space<hbm>>
    tpu.enqueue_dma source(%dma_start3A_21 : memref<128xi32, #tpu.memory_space<hbm>>) target(%dma_start3A_18 : memref<128xi32, #tpu.memory_space<vmem>>) target_semaphore(%arg16 : memref<!tpu.dma_semaphore, #tpu.memory_space<semaphore_mem>>)
    %dma_start3A_22 = arith.constant 1 : i32
    %dma_start3A_23 = arith.constant 1 : i32
    %dma_start3A_24 = arith.constant 0 : i32
    %dma_start3A_25 = tpu.memref_slice %arg9[%dma_start3A_23, %dma_start3A_24] : memref<2x128xi32, #tpu.memory_space<vmem>> -> memref<1x128xi32, #tpu.memory_space<vmem>>
    %dma_start3A_26 = tpu.memref_squeeze %dma_start3A_25 : memref<1x128xi32, #tpu.memory_space<vmem>> -> memref<128xi32, #tpu.memory_space<vmem>>
    %dma_start3A_27 = arith.constant 0 : i32
    %dma_start3A_28 = tpu.memref_slice %arg3[%add3A, %dma_start3A_22, %dma_start3A_27] : memref<32x80x128xi32, #tpu.memory_space<hbm>> -> memref<1x1x128xi32, #tpu.memory_space<hbm>>
    %dma_start3A_29 = tpu.memref_squeeze %dma_start3A_28 : memref<1x1x128xi32, #tpu.memory_space<hbm>> -> memref<128xi32, #tpu.memory_space<hbm>>
    %dma_start3A_30 = arith.constant 0 : i32
    %dma_start3A_31 = tpu.memref_slice %arg9[%dma_start3A_23, %dma_start3A_30] : memref<2x128xi32, #tpu.memory_space<vmem>> -> memref<1x128xi32, #tpu.memory_space<vmem>>
    %dma_start3A_32 = tpu.memref_squeeze %dma_start3A_31 : memref<1x128xi32, #tpu.memory_space<vmem>> -> memref<128xi32, #tpu.memory_space<vmem>>
    %dma_start3A_33 = arith.constant 0 : i32
    %dma_start3A_34 = tpu.memref_slice %arg3[%add3A, %dma_start3A_22, %dma_start3A_33] : memref<32x80x128xi32, #tpu.memory_space<hbm>> -> memref<1x1x128xi32, #tpu.memory_space<hbm>>
    %dma_start3A_35 = tpu.memref_squeeze %dma_start3A_34 : memref<1x1x128xi32, #tpu.memory_space<hbm>> -> memref<128xi32, #tpu.memory_space<hbm>>
    tpu.enqueue_dma source(%dma_start3A_35 : memref<128xi32, #tpu.memory_space<hbm>>) target(%dma_start3A_32 : memref<128xi32, #tpu.memory_space<vmem>>) target_semaphore(%arg17 : memref<!tpu.dma_semaphore, #tpu.memory_space<semaphore_mem>>)
    %mul3A_36 = arith.constant 640 : i32
    %mul3A_37 = arith.muli %arg1, %mul3A_36 : i32
    "tpu.region"() ({
      %run_scoped3A = tpu.sem_alloc : memref<!tpu.dma_semaphore, #tpu.memory_space<semaphore_mem>>
      %dma_start3A_72 = arith.constant 0 : i32
      %dma_start3A_73 = tpu.memref_slice %arg12[%mul3A_37, %dma_start3A_72] : memref<10240x128xf32, #tpu.memory_space<vmem_shared>> -> memref<640x128xf32, #tpu.memory_space<vmem_shared>>
      tpu.enqueue_dma source(%arg5 : memref<640x128xf32, #tpu.memory_space<hbm>>) target(%dma_start3A_73 : memref<640x128xf32, #tpu.memory_space<vmem_shared>>) target_semaphore(%run_scoped3A : memref<!tpu.dma_semaphore, #tpu.memory_space<semaphore_mem>>)
      %dma_wait3A_74 = arith.constant 0 : i32
      %dma_wait3A_75 = tpu.memref_slice %arg12[%mul3A_37, %dma_wait3A_74] : memref<10240x128xf32, #tpu.memory_space<vmem_shared>> -> memref<640x128xf32, #tpu.memory_space<vmem_shared>>
      tpu.wait_dma2 semaphore(%run_scoped3A : memref<!tpu.dma_semaphore, #tpu.memory_space<semaphore_mem>>) src(%arg5 : memref<640x128xf32, #tpu.memory_space<hbm>>) dst(%dma_wait3A_75 : memref<640x128xf32, #tpu.memory_space<vmem_shared>>)
      tpu.yield
    }) : () -> ()
    %dma_wait3A = arith.constant 0 : i32
    %dma_wait3A_38 = arith.constant 0 : i32
    %dma_wait3A_39 = tpu.memref_slice %arg4[%add3A, %dma_wait3A, %dma_wait3A_38] : memref<32x80x128xi32, #tpu.memory_space<hbm>> -> memref<1x80x128xi32, #tpu.memory_space<hbm>>
    %dma_wait3A_40 = tpu.memref_squeeze %dma_wait3A_39 : memref<1x80x128xi32, #tpu.memory_space<hbm>> -> memref<80x128xi32, #tpu.memory_space<hbm>>
    %dma_wait3A_41 = arith.constant 0 : i32
    %dma_wait3A_42 = arith.constant 0 : i32
    %dma_wait3A_43 = tpu.memref_slice %arg4[%add3A, %dma_wait3A_41, %dma_wait3A_42] : memref<32x80x128xi32, #tpu.memory_space<hbm>> -> memref<1x80x128xi32, #tpu.memory_space<hbm>>
    %dma_wait3A_44 = tpu.memref_squeeze %dma_wait3A_43 : memref<1x80x128xi32, #tpu.memory_space<hbm>> -> memref<80x128xi32, #tpu.memory_space<hbm>>
    tpu.wait_dma2 semaphore(%arg13 : memref<!tpu.dma_semaphore, #tpu.memory_space<semaphore_mem>>) src(%dma_wait3A_44 : memref<80x128xi32, #tpu.memory_space<hbm>>) dst(%arg8 : memref<80x128xi32, #tpu.memory_space<vmem>>)
    %barrier3A = arith.constant 0 : index
    tpu.barrier barrier_id(%barrier3A)
    %dma_start3A_45 = arith.constant 0 : i32
    %dma_start3A_46 = arith.constant 0 : i32
    %dma_start3A_47 = tpu.memref_slice %arg8[%dma_start3A_45, %dma_start3A_46] : memref<80x128xi32, #tpu.memory_space<vmem>> -> memref<1x128xi32, #tpu.memory_space<vmem>>
    %dma_start3A_48 = tpu.memref_squeeze %dma_start3A_47 : memref<1x128xi32, #tpu.memory_space<vmem>> -> memref<128xi32, #tpu.memory_space<vmem>>
    %dma_start3A_49 = arith.constant 0 : i32
    %dma_start3A_50 = arith.constant 0 : i32
    %dma_start3A_51 = tpu.memref_slice %arg2[%dma_start3A_49, %dma_start3A_50] : memref<10000x128xf32, #tpu.memory_space<hbm>> -> memref<10000x128xf32, #tpu.memory_space<hbm>>
    tpu.enqueue_indirect_dma source(%dma_start3A_51 : memref<10000x128xf32, #tpu.memory_space<hbm>>) target(%arg10 : memref<128x128xf32, #tpu.memory_space<vmem>>) offsets(%dma_start3A_48 : memref<128xi32, #tpu.memory_space<vmem>>) semaphore(%arg14 : memref<!tpu.dma_semaphore, #tpu.memory_space<semaphore_mem>>)
    %dma_start3A_52 = arith.constant 1 : i32
    %dma_start3A_53 = arith.constant 0 : i32
    %dma_start3A_54 = tpu.memref_slice %arg8[%dma_start3A_52, %dma_start3A_53] : memref<80x128xi32, #tpu.memory_space<vmem>> -> memref<1x128xi32, #tpu.memory_space<vmem>>
    %dma_start3A_55 = tpu.memref_squeeze %dma_start3A_54 : memref<1x128xi32, #tpu.memory_space<vmem>> -> memref<128xi32, #tpu.memory_space<vmem>>
    %dma_start3A_56 = arith.constant 0 : i32
    %dma_start3A_57 = arith.constant 0 : i32
    %dma_start3A_58 = tpu.memref_slice %arg2[%dma_start3A_56, %dma_start3A_57] : memref<10000x128xf32, #tpu.memory_space<hbm>> -> memref<10000x128xf32, #tpu.memory_space<hbm>>
    tpu.enqueue_indirect_dma source(%dma_start3A_58 : memref<10000x128xf32, #tpu.memory_space<hbm>>) target(%arg11 : memref<128x128xf32, #tpu.memory_space<vmem>>) offsets(%dma_start3A_55 : memref<128xi32, #tpu.memory_space<vmem>>) semaphore(%arg15 : memref<!tpu.dma_semaphore, #tpu.memory_space<semaphore_mem>>)
    %scan3A = arith.constant 0 : i32
    %scan3A_59 = arith.constant 0 : i32
    %scan3A_60 = arith.constant 40 : i32
    %scan3A_61 = arith.addi %scan3A_59, %scan3A_60 : i32
    %scan3A_62 = arith.constant 1 : i32
    scf.for %scan3A_72 = %scan3A_59 to %scan3A_61 step %scan3A_62  : i32 {
      %mul3A_73 = arith.constant 2 : i32
      %mul3A_74 = arith.muli %scan3A_72, %mul3A_73 : i32
      %add3A_75 = arith.constant 0 : i32
      %add3A_76 = arith.addi %mul3A_74, %add3A_75 : i32
      %dma_wait3A_77 = arith.constant 0 : i32
      %dma_wait3A_78 = tpu.memref_slice %arg8[%add3A_76, %dma_wait3A_77] : memref<80x128xi32, #tpu.memory_space<vmem>> -> memref<1x128xi32, #tpu.memory_space<vmem>>
      %dma_wait3A_79 = tpu.memref_squeeze %dma_wait3A_78 : memref<1x128xi32, #tpu.memory_space<vmem>> -> memref<128xi32, #tpu.memory_space<vmem>>
      %dma_wait3A_80 = arith.constant 0 : i32
      %dma_wait3A_81 = arith.constant 0 : i32
      %dma_wait3A_82 = tpu.memref_slice %arg2[%dma_wait3A_80, %dma_wait3A_81] : memref<10000x128xf32, #tpu.memory_space<hbm>> -> memref<10000x128xf32, #tpu.memory_space<hbm>>
      tpu.wait_indirect_dma semaphore(%arg14 : memref<!tpu.dma_semaphore, #tpu.memory_space<semaphore_mem>>) src(%dma_wait3A_82 : memref<10000x128xf32, #tpu.memory_space<hbm>>) dst(%arg10 : memref<128x128xf32, #tpu.memory_space<vmem>>)
      %dma_wait3A_83 = arith.constant 0 : i32
      %dma_wait3A_84 = arith.constant 0 : i32
      %dma_wait3A_85 = tpu.memref_slice %arg9[%dma_wait3A_83, %dma_wait3A_84] : memref<2x128xi32, #tpu.memory_space<vmem>> -> memref<1x128xi32, #tpu.memory_space<vmem>>
      %dma_wait3A_86 = tpu.memref_squeeze %dma_wait3A_85 : memref<1x128xi32, #tpu.memory_space<vmem>> -> memref<128xi32, #tpu.memory_space<vmem>>
      %dma_wait3A_87 = arith.constant 0 : i32
      %dma_wait3A_88 = tpu.memref_slice %arg3[%add3A, %add3A_76, %dma_wait3A_87] : memref<32x80x128xi32, #tpu.memory_space<hbm>> -> memref<1x1x128xi32, #tpu.memory_space<hbm>>
      %dma_wait3A_89 = tpu.memref_squeeze %dma_wait3A_88 : memref<1x1x128xi32, #tpu.memory_space<hbm>> -> memref<128xi32, #tpu.memory_space<hbm>>
      %dma_wait3A_90 = arith.constant 0 : i32
      %dma_wait3A_91 = tpu.memref_slice %arg9[%dma_wait3A_83, %dma_wait3A_90] : memref<2x128xi32, #tpu.memory_space<vmem>> -> memref<1x128xi32, #tpu.memory_space<vmem>>
      %dma_wait3A_92 = tpu.memref_squeeze %dma_wait3A_91 : memref<1x128xi32, #tpu.memory_space<vmem>> -> memref<128xi32, #tpu.memory_space<vmem>>
      %dma_wait3A_93 = arith.constant 0 : i32
      %dma_wait3A_94 = tpu.memref_slice %arg3[%add3A, %add3A_76, %dma_wait3A_93] : memref<32x80x128xi32, #tpu.memory_space<hbm>> -> memref<1x1x128xi32, #tpu.memory_space<hbm>>
      %dma_wait3A_95 = tpu.memref_squeeze %dma_wait3A_94 : memref<1x1x128xi32, #tpu.memory_space<hbm>> -> memref<128xi32, #tpu.memory_space<hbm>>
      tpu.wait_dma2 semaphore(%arg16 : memref<!tpu.dma_semaphore, #tpu.memory_space<semaphore_mem>>) src(%dma_wait3A_95 : memref<128xi32, #tpu.memory_space<hbm>>) dst(%dma_wait3A_92 : memref<128xi32, #tpu.memory_space<vmem>>)
      %run_scoped3A = arith.constant 0 : i32
      "tpu.region"() ({
        %run_scoped3A_131 = tpu.sem_alloc : memref<!tpu.dma_semaphore, #tpu.memory_space<semaphore_mem>>
        %dma_start3A_132 = arith.constant 0 : i32
        %dma_start3A_133 = tpu.memref_slice %arg9[%run_scoped3A, %dma_start3A_132] : memref<2x128xi32, #tpu.memory_space<vmem>> -> memref<1x128xi32, #tpu.memory_space<vmem>>
        %dma_start3A_134 = tpu.memref_squeeze %dma_start3A_133 : memref<1x128xi32, #tpu.memory_space<vmem>> -> memref<128xi32, #tpu.memory_space<vmem>>
        %dma_start3A_135 = arith.constant 0 : i32
        %dma_start3A_136 = arith.constant 0 : i32
        %dma_start3A_137 = tpu.memref_slice %arg12[%dma_start3A_135, %dma_start3A_136] : memref<10240x128xf32, #tpu.memory_space<vmem_shared>> -> memref<10240x128xf32, #tpu.memory_space<vmem_shared>>
        tpu.enqueue_indirect_dma source(%arg10 : memref<128x128xf32, #tpu.memory_space<vmem>>) target(%dma_start3A_137 : memref<10240x128xf32, #tpu.memory_space<vmem_shared>>) offsets(%dma_start3A_134 : memref<128xi32, #tpu.memory_space<vmem>>) semaphore(%run_scoped3A_131 : memref<!tpu.dma_semaphore, #tpu.memory_space<semaphore_mem>>) {add = true}
        %dma_wait3A_138 = arith.constant 0 : i32
        %dma_wait3A_139 = tpu.memref_slice %arg9[%run_scoped3A, %dma_wait3A_138] : memref<2x128xi32, #tpu.memory_space<vmem>> -> memref<1x128xi32, #tpu.memory_space<vmem>>
        %dma_wait3A_140 = tpu.memref_squeeze %dma_wait3A_139 : memref<1x128xi32, #tpu.memory_space<vmem>> -> memref<128xi32, #tpu.memory_space<vmem>>
        %dma_wait3A_141 = arith.constant 0 : i32
        %dma_wait3A_142 = arith.constant 0 : i32
        %dma_wait3A_143 = tpu.memref_slice %arg12[%dma_wait3A_141, %dma_wait3A_142] : memref<10240x128xf32, #tpu.memory_space<vmem_shared>> -> memref<10240x128xf32, #tpu.memory_space<vmem_shared>>
        tpu.wait_indirect_dma semaphore(%run_scoped3A_131 : memref<!tpu.dma_semaphore, #tpu.memory_space<semaphore_mem>>) src(%arg10 : memref<128x128xf32, #tpu.memory_space<vmem>>) dst(%dma_wait3A_143 : memref<10240x128xf32, #tpu.memory_space<vmem_shared>>)
        tpu.yield
      }) : () -> ()
      %add3A_96 = arith.constant 2 : i32
      %add3A_97 = arith.addi %add3A_76, %add3A_96 : i32
      %lt3A = arith.constant 80 : i32
      %lt3A_98 = arith.cmpi slt, %add3A_97, %lt3A : i32
      %convert_element_type3A_99 = arith.extui %lt3A_98 : i1 to i32
      %cond3A_100 = arith.constant 0 : i32
      %cond3A_101 = arith.cmpi ne, %convert_element_type3A_99, %cond3A_100 : i32
      scf.if %cond3A_101 {
        %add3A_131 = arith.constant 2 : i32
        %add3A_132 = arith.addi %add3A_76, %add3A_131 : i32
        %dma_start3A_133 = arith.constant 0 : i32
        %dma_start3A_134 = tpu.memref_slice %arg8[%add3A_132, %dma_start3A_133] : memref<80x128xi32, #tpu.memory_space<vmem>> -> memref<1x128xi32, #tpu.memory_space<vmem>>
        %dma_start3A_135 = tpu.memref_squeeze %dma_start3A_134 : memref<1x128xi32, #tpu.memory_space<vmem>> -> memref<128xi32, #tpu.memory_space<vmem>>
        %dma_start3A_136 = arith.constant 0 : i32
        %dma_start3A_137 = arith.constant 0 : i32
        %dma_start3A_138 = tpu.memref_slice %arg2[%dma_start3A_136, %dma_start3A_137] : memref<10000x128xf32, #tpu.memory_space<hbm>> -> memref<10000x128xf32, #tpu.memory_space<hbm>>
        tpu.enqueue_indirect_dma source(%dma_start3A_138 : memref<10000x128xf32, #tpu.memory_space<hbm>>) target(%arg10 : memref<128x128xf32, #tpu.memory_space<vmem>>) offsets(%dma_start3A_135 : memref<128xi32, #tpu.memory_space<vmem>>) semaphore(%arg14 : memref<!tpu.dma_semaphore, #tpu.memory_space<semaphore_mem>>)
        %add3A_139 = arith.constant 2 : i32
        %add3A_140 = arith.addi %add3A_76, %add3A_139 : i32
        %dma_start3A_141 = arith.constant 0 : i32
        %dma_start3A_142 = arith.constant 0 : i32
        %dma_start3A_143 = tpu.memref_slice %arg9[%dma_start3A_141, %dma_start3A_142] : memref<2x128xi32, #tpu.memory_space<vmem>> -> memref<1x128xi32, #tpu.memory_space<vmem>>
        %dma_start3A_144 = tpu.memref_squeeze %dma_start3A_143 : memref<1x128xi32, #tpu.memory_space<vmem>> -> memref<128xi32, #tpu.memory_space<vmem>>
        %dma_start3A_145 = arith.constant 0 : i32
        %dma_start3A_146 = tpu.memref_slice %arg3[%add3A, %add3A_140, %dma_start3A_145] : memref<32x80x128xi32, #tpu.memory_space<hbm>> -> memref<1x1x128xi32, #tpu.memory_space<hbm>>
        %dma_start3A_147 = tpu.memref_squeeze %dma_start3A_146 : memref<1x1x128xi32, #tpu.memory_space<hbm>> -> memref<128xi32, #tpu.memory_space<hbm>>
        %dma_start3A_148 = arith.constant 0 : i32
        %dma_start3A_149 = tpu.memref_slice %arg9[%dma_start3A_141, %dma_start3A_148] : memref<2x128xi32, #tpu.memory_space<vmem>> -> memref<1x128xi32, #tpu.memory_space<vmem>>
        %dma_start3A_150 = tpu.memref_squeeze %dma_start3A_149 : memref<1x128xi32, #tpu.memory_space<vmem>> -> memref<128xi32, #tpu.memory_space<vmem>>
        %dma_start3A_151 = arith.constant 0 : i32
        %dma_start3A_152 = tpu.memref_slice %arg3[%add3A, %add3A_140, %dma_start3A_151] : memref<32x80x128xi32, #tpu.memory_space<hbm>> -> memref<1x1x128xi32, #tpu.memory_space<hbm>>
        %dma_start3A_153 = tpu.memref_squeeze %dma_start3A_152 : memref<1x1x128xi32, #tpu.memory_space<hbm>> -> memref<128xi32, #tpu.memory_space<hbm>>
        tpu.enqueue_dma source(%dma_start3A_153 : memref<128xi32, #tpu.memory_space<hbm>>) target(%dma_start3A_150 : memref<128xi32, #tpu.memory_space<vmem>>) target_semaphore(%arg16 : memref<!tpu.dma_semaphore, #tpu.memory_space<semaphore_mem>>)
      } else {
      }
      %add3A_102 = arith.constant 1 : i32
      %add3A_103 = arith.addi %mul3A_74, %add3A_102 : i32
      %dma_wait3A_104 = arith.constant 0 : i32
      %dma_wait3A_105 = tpu.memref_slice %arg8[%add3A_103, %dma_wait3A_104] : memref<80x128xi32, #tpu.memory_space<vmem>> -> memref<1x128xi32, #tpu.memory_space<vmem>>
      %dma_wait3A_106 = tpu.memref_squeeze %dma_wait3A_105 : memref<1x128xi32, #tpu.memory_space<vmem>> -> memref<128xi32, #tpu.memory_space<vmem>>
      %dma_wait3A_107 = arith.constant 0 : i32
      %dma_wait3A_108 = arith.constant 0 : i32
      %dma_wait3A_109 = tpu.memref_slice %arg2[%dma_wait3A_107, %dma_wait3A_108] : memref<10000x128xf32, #tpu.memory_space<hbm>> -> memref<10000x128xf32, #tpu.memory_space<hbm>>
      tpu.wait_indirect_dma semaphore(%arg15 : memref<!tpu.dma_semaphore, #tpu.memory_space<semaphore_mem>>) src(%dma_wait3A_109 : memref<10000x128xf32, #tpu.memory_space<hbm>>) dst(%arg11 : memref<128x128xf32, #tpu.memory_space<vmem>>)
      %dma_wait3A_110 = arith.constant 1 : i32
      %dma_wait3A_111 = arith.constant 0 : i32
      %dma_wait3A_112 = tpu.memref_slice %arg9[%dma_wait3A_110, %dma_wait3A_111] : memref<2x128xi32, #tpu.memory_space<vmem>> -> memref<1x128xi32, #tpu.memory_space<vmem>>
      %dma_wait3A_113 = tpu.memref_squeeze %dma_wait3A_112 : memref<1x128xi32, #tpu.memory_space<vmem>> -> memref<128xi32, #tpu.memory_space<vmem>>
      %dma_wait3A_114 = arith.constant 0 : i32
      %dma_wait3A_115 = tpu.memref_slice %arg3[%add3A, %add3A_103, %dma_wait3A_114] : memref<32x80x128xi32, #tpu.memory_space<hbm>> -> memref<1x1x128xi32, #tpu.memory_space<hbm>>
      %dma_wait3A_116 = tpu.memref_squeeze %dma_wait3A_115 : memref<1x1x128xi32, #tpu.memory_space<hbm>> -> memref<128xi32, #tpu.memory_space<hbm>>
      %dma_wait3A_117 = arith.constant 0 : i32
      %dma_wait3A_118 = tpu.memref_slice %arg9[%dma_wait3A_110, %dma_wait3A_117] : memref<2x128xi32, #tpu.memory_space<vmem>> -> memref<1x128xi32, #tpu.memory_space<vmem>>
      %dma_wait3A_119 = tpu.memref_squeeze %dma_wait3A_118 : memref<1x128xi32, #tpu.memory_space<vmem>> -> memref<128xi32, #tpu.memory_space<vmem>>
      %dma_wait3A_120 = arith.constant 0 : i32
      %dma_wait3A_121 = tpu.memref_slice %arg3[%add3A, %add3A_103, %dma_wait3A_120] : memref<32x80x128xi32, #tpu.memory_space<hbm>> -> memref<1x1x128xi32, #tpu.memory_space<hbm>>
      %dma_wait3A_122 = tpu.memref_squeeze %dma_wait3A_121 : memref<1x1x128xi32, #tpu.memory_space<hbm>> -> memref<128xi32, #tpu.memory_space<hbm>>
      tpu.wait_dma2 semaphore(%arg17 : memref<!tpu.dma_semaphore, #tpu.memory_space<semaphore_mem>>) src(%dma_wait3A_122 : memref<128xi32, #tpu.memory_space<hbm>>) dst(%dma_wait3A_119 : memref<128xi32, #tpu.memory_space<vmem>>)
      %run_scoped3A_123 = arith.constant 1 : i32
      "tpu.region"() ({
        %run_scoped3A_131 = tpu.sem_alloc : memref<!tpu.dma_semaphore, #tpu.memory_space<semaphore_mem>>
        %dma_start3A_132 = arith.constant 0 : i32
        %dma_start3A_133 = tpu.memref_slice %arg9[%run_scoped3A_123, %dma_start3A_132] : memref<2x128xi32, #tpu.memory_space<vmem>> -> memref<1x128xi32, #tpu.memory_space<vmem>>
        %dma_start3A_134 = tpu.memref_squeeze %dma_start3A_133 : memref<1x128xi32, #tpu.memory_space<vmem>> -> memref<128xi32, #tpu.memory_space<vmem>>
        %dma_start3A_135 = arith.constant 0 : i32
        %dma_start3A_136 = arith.constant 0 : i32
        %dma_start3A_137 = tpu.memref_slice %arg12[%dma_start3A_135, %dma_start3A_136] : memref<10240x128xf32, #tpu.memory_space<vmem_shared>> -> memref<10240x128xf32, #tpu.memory_space<vmem_shared>>
        tpu.enqueue_indirect_dma source(%arg11 : memref<128x128xf32, #tpu.memory_space<vmem>>) target(%dma_start3A_137 : memref<10240x128xf32, #tpu.memory_space<vmem_shared>>) offsets(%dma_start3A_134 : memref<128xi32, #tpu.memory_space<vmem>>) semaphore(%run_scoped3A_131 : memref<!tpu.dma_semaphore, #tpu.memory_space<semaphore_mem>>) {add = true}
        %dma_wait3A_138 = arith.constant 0 : i32
        %dma_wait3A_139 = tpu.memref_slice %arg9[%run_scoped3A_123, %dma_wait3A_138] : memref<2x128xi32, #tpu.memory_space<vmem>> -> memref<1x128xi32, #tpu.memory_space<vmem>>
        %dma_wait3A_140 = tpu.memref_squeeze %dma_wait3A_139 : memref<1x128xi32, #tpu.memory_space<vmem>> -> memref<128xi32, #tpu.memory_space<vmem>>
        %dma_wait3A_141 = arith.constant 0 : i32
        %dma_wait3A_142 = arith.constant 0 : i32
        %dma_wait3A_143 = tpu.memref_slice %arg12[%dma_wait3A_141, %dma_wait3A_142] : memref<10240x128xf32, #tpu.memory_space<vmem_shared>> -> memref<10240x128xf32, #tpu.memory_space<vmem_shared>>
        tpu.wait_indirect_dma semaphore(%run_scoped3A_131 : memref<!tpu.dma_semaphore, #tpu.memory_space<semaphore_mem>>) src(%arg11 : memref<128x128xf32, #tpu.memory_space<vmem>>) dst(%dma_wait3A_143 : memref<10240x128xf32, #tpu.memory_space<vmem_shared>>)
        tpu.yield
      }) : () -> ()
      %add3A_124 = arith.constant 2 : i32
      %add3A_125 = arith.addi %add3A_103, %add3A_124 : i32
      %lt3A_126 = arith.constant 80 : i32
      %lt3A_127 = arith.cmpi slt, %add3A_125, %lt3A_126 : i32
      %convert_element_type3A_128 = arith.extui %lt3A_127 : i1 to i32
      %cond3A_129 = arith.constant 0 : i32
      %cond3A_130 = arith.cmpi ne, %convert_element_type3A_128, %cond3A_129 : i32
      scf.if %cond3A_130 {
        %add3A_131 = arith.constant 2 : i32
        %add3A_132 = arith.addi %add3A_103, %add3A_131 : i32
        %dma_start3A_133 = arith.constant 0 : i32
        %dma_start3A_134 = tpu.memref_slice %arg8[%add3A_132, %dma_start3A_133] : memref<80x128xi32, #tpu.memory_space<vmem>> -> memref<1x128xi32, #tpu.memory_space<vmem>>
        %dma_start3A_135 = tpu.memref_squeeze %dma_start3A_134 : memref<1x128xi32, #tpu.memory_space<vmem>> -> memref<128xi32, #tpu.memory_space<vmem>>
        %dma_start3A_136 = arith.constant 0 : i32
        %dma_start3A_137 = arith.constant 0 : i32
        %dma_start3A_138 = tpu.memref_slice %arg2[%dma_start3A_136, %dma_start3A_137] : memref<10000x128xf32, #tpu.memory_space<hbm>> -> memref<10000x128xf32, #tpu.memory_space<hbm>>
        tpu.enqueue_indirect_dma source(%dma_start3A_138 : memref<10000x128xf32, #tpu.memory_space<hbm>>) target(%arg11 : memref<128x128xf32, #tpu.memory_space<vmem>>) offsets(%dma_start3A_135 : memref<128xi32, #tpu.memory_space<vmem>>) semaphore(%arg15 : memref<!tpu.dma_semaphore, #tpu.memory_space<semaphore_mem>>)
        %add3A_139 = arith.constant 2 : i32
        %add3A_140 = arith.addi %add3A_103, %add3A_139 : i32
        %dma_start3A_141 = arith.constant 1 : i32
        %dma_start3A_142 = arith.constant 0 : i32
        %dma_start3A_143 = tpu.memref_slice %arg9[%dma_start3A_141, %dma_start3A_142] : memref<2x128xi32, #tpu.memory_space<vmem>> -> memref<1x128xi32, #tpu.memory_space<vmem>>
        %dma_start3A_144 = tpu.memref_squeeze %dma_start3A_143 : memref<1x128xi32, #tpu.memory_space<vmem>> -> memref<128xi32, #tpu.memory_space<vmem>>
        %dma_start3A_145 = arith.constant 0 : i32
        %dma_start3A_146 = tpu.memref_slice %arg3[%add3A, %add3A_140, %dma_start3A_145] : memref<32x80x128xi32, #tpu.memory_space<hbm>> -> memref<1x1x128xi32, #tpu.memory_space<hbm>>
        %dma_start3A_147 = tpu.memref_squeeze %dma_start3A_146 : memref<1x1x128xi32, #tpu.memory_space<hbm>> -> memref<128xi32, #tpu.memory_space<hbm>>
        %dma_start3A_148 = arith.constant 0 : i32
        %dma_start3A_149 = tpu.memref_slice %arg9[%dma_start3A_141, %dma_start3A_148] : memref<2x128xi32, #tpu.memory_space<vmem>> -> memref<1x128xi32, #tpu.memory_space<vmem>>
        %dma_start3A_150 = tpu.memref_squeeze %dma_start3A_149 : memref<1x128xi32, #tpu.memory_space<vmem>> -> memref<128xi32, #tpu.memory_space<vmem>>
        %dma_start3A_151 = arith.constant 0 : i32
        %dma_start3A_152 = tpu.memref_slice %arg3[%add3A, %add3A_140, %dma_start3A_151] : memref<32x80x128xi32, #tpu.memory_space<hbm>> -> memref<1x1x128xi32, #tpu.memory_space<hbm>>
        %dma_start3A_153 = tpu.memref_squeeze %dma_start3A_152 : memref<1x1x128xi32, #tpu.memory_space<hbm>> -> memref<128xi32, #tpu.memory_space<hbm>>
        tpu.enqueue_dma source(%dma_start3A_153 : memref<128xi32, #tpu.memory_space<hbm>>) target(%dma_start3A_150 : memref<128xi32, #tpu.memory_space<vmem>>) target_semaphore(%arg17 : memref<!tpu.dma_semaphore, #tpu.memory_space<semaphore_mem>>)
      } else {
      }
    }
    %scan3A_63 = arith.constant 40 : i32
    %barrier3A_64 = arith.constant 0 : index
    tpu.barrier barrier_id(%barrier3A_64)
    %eq3A = arith.constant 0 : i32
    %eq3A_65 = arith.cmpi eq, %arg0, %eq3A : i32
    %convert_element_type3A = arith.extui %eq3A_65 : i1 to i32
    %cond3A = arith.constant 0 : i32
    %cond3A_66 = arith.cmpi ne, %convert_element_type3A, %cond3A : i32
    scf.if %cond3A_66 {
      %mul3A_72 = arith.constant 640 : i32
      %mul3A_73 = arith.muli %arg1, %mul3A_72 : i32
      %mul3A_74 = arith.constant 640 : i32
      %mul3A_75 = arith.muli %arg1, %mul3A_74 : i32
      "tpu.region"() ({
        %run_scoped3A = tpu.sem_alloc : memref<!tpu.dma_semaphore, #tpu.memory_space<semaphore_mem>>
        %dma_start3A_76 = arith.constant 0 : i32
        %dma_start3A_77 = tpu.memref_slice %arg6[%mul3A_75, %dma_start3A_76] : memref<10240x128xf32, #tpu.memory_space<hbm>> -> memref<640x128xf32, #tpu.memory_space<hbm>>
        %dma_start3A_78 = arith.constant 0 : i32
        %dma_start3A_79 = tpu.memref_slice %arg12[%mul3A_73, %dma_start3A_78] : memref<10240x128xf32, #tpu.memory_space<vmem_shared>> -> memref<640x128xf32, #tpu.memory_space<vmem_shared>>
        tpu.enqueue_dma source(%dma_start3A_79 : memref<640x128xf32, #tpu.memory_space<vmem_shared>>) target(%dma_start3A_77 : memref<640x128xf32, #tpu.memory_space<hbm>>) target_semaphore(%run_scoped3A : memref<!tpu.dma_semaphore, #tpu.memory_space<semaphore_mem>>)
        %dma_wait3A_80 = arith.constant 0 : i32
        %dma_wait3A_81 = tpu.memref_slice %arg6[%mul3A_75, %dma_wait3A_80] : memref<10240x128xf32, #tpu.memory_space<hbm>> -> memref<640x128xf32, #tpu.memory_space<hbm>>
        %dma_wait3A_82 = arith.constant 0 : i32
        %dma_wait3A_83 = tpu.memref_slice %arg12[%mul3A_73, %dma_wait3A_82] : memref<10240x128xf32, #tpu.memory_space<vmem_shared>> -> memref<640x128xf32, #tpu.memory_space<vmem_shared>>
        tpu.wait_dma2 semaphore(%run_scoped3A : memref<!tpu.dma_semaphore, #tpu.memory_space<semaphore_mem>>) src(%dma_wait3A_83 : memref<640x128xf32, #tpu.memory_space<vmem_shared>>) dst(%dma_wait3A_81 : memref<640x128xf32, #tpu.memory_space<hbm>>)
        tpu.yield
      }) : () -> ()
    } else {
    }
    %eq3A_67 = arith.constant 1 : i32
    %eq3A_68 = arith.cmpi eq, %arg0, %eq3A_67 : i32
    %convert_element_type3A_69 = arith.extui %eq3A_68 : i1 to i32
    %cond3A_70 = arith.constant 0 : i32
    %cond3A_71 = arith.cmpi ne, %convert_element_type3A_69, %cond3A_70 : i32
    scf.if %cond3A_71 {
      %mul3A_72 = arith.constant 640 : i32
      %mul3A_73 = arith.muli %arg1, %mul3A_72 : i32
      %mul3A_74 = arith.constant 640 : i32
      %mul3A_75 = arith.muli %arg1, %mul3A_74 : i32
      "tpu.region"() ({
        %run_scoped3A = tpu.sem_alloc : memref<!tpu.dma_semaphore, #tpu.memory_space<semaphore_mem>>
        %dma_start3A_76 = arith.constant 0 : i32
        %dma_start3A_77 = tpu.memref_slice %arg7[%mul3A_75, %dma_start3A_76] : memref<10240x128xf32, #tpu.memory_space<hbm>> -> memref<640x128xf32, #tpu.memory_space<hbm>>
        %dma_start3A_78 = arith.constant 0 : i32
        %dma_start3A_79 = tpu.memref_slice %arg12[%mul3A_73, %dma_start3A_78] : memref<10240x128xf32, #tpu.memory_space<vmem_shared>> -> memref<640x128xf32, #tpu.memory_space<vmem_shared>>
        tpu.enqueue_dma source(%dma_start3A_79 : memref<640x128xf32, #tpu.memory_space<vmem_shared>>) target(%dma_start3A_77 : memref<640x128xf32, #tpu.memory_space<hbm>>) target_semaphore(%run_scoped3A : memref<!tpu.dma_semaphore, #tpu.memory_space<semaphore_mem>>)
        %dma_wait3A_80 = arith.constant 0 : i32
        %dma_wait3A_81 = tpu.memref_slice %arg7[%mul3A_75, %dma_wait3A_80] : memref<10240x128xf32, #tpu.memory_space<hbm>> -> memref<640x128xf32, #tpu.memory_space<hbm>>
        %dma_wait3A_82 = arith.constant 0 : i32
        %dma_wait3A_83 = tpu.memref_slice %arg12[%mul3A_73, %dma_wait3A_82] : memref<10240x128xf32, #tpu.memory_space<vmem_shared>> -> memref<640x128xf32, #tpu.memory_space<vmem_shared>>
        tpu.wait_dma2 semaphore(%run_scoped3A : memref<!tpu.dma_semaphore, #tpu.memory_space<semaphore_mem>>) src(%dma_wait3A_83 : memref<640x128xf32, #tpu.memory_space<vmem_shared>>) dst(%dma_wait3A_81 : memref<640x128xf32, #tpu.memory_space<hbm>>)
        tpu.yield
      }) : () -> ()
    } else {
    }
    return
  }
}

#map = affine_map<(d0, d1) -> (0, 0)>
#map1 = affine_map<(d0, d1) -> (0, 0, 0)>
module attributes {stable_mosaic.version = 14 : i64} {
  func.func @body(%arg0: i32, %arg1: i32, %arg2: memref<10000x128xf32, #tpu.memory_space<hbm>>, %arg3: memref<32x80x128xi32, #tpu.memory_space<hbm>>, %arg4: memref<32x80x128xi32, #tpu.memory_space<hbm>>, %arg5: memref<640x128xf32, #tpu.memory_space<hbm>>, %arg6: memref<10240x128xf32, #tpu.memory_space<hbm>>, %arg7: memref<10240x128xf32, #tpu.memory_space<hbm>>, %arg8: memref<80x128xi32, #tpu.memory_space<vmem>>, %arg9: memref<2x128xi32, #tpu.memory_space<vmem>>, %arg10: memref<128x128xf32, #tpu.memory_space<vmem>>, %arg11: memref<128x128xf32, #tpu.memory_space<vmem>>, %arg12: memref<10240x128xf32, #tpu.memory_space<vmem_shared>>, %arg13: memref<!tpu.dma_semaphore, #tpu.memory_space<semaphore_mem>>, %arg14: memref<!tpu.dma_semaphore, #tpu.memory_space<semaphore_mem>>, %arg15: memref<!tpu.dma_semaphore, #tpu.memory_space<semaphore_mem>>, %arg16: memref<!tpu.dma_semaphore, #tpu.memory_space<semaphore_mem>>, %arg17: memref<!tpu.dma_semaphore, #tpu.memory_space<semaphore_mem>>) attributes {dimension_semantics = [#tpu.dimension_semantics<core_parallel>, #tpu.dimension_semantics<subcore_parallel>], iteration_bounds = array<i64: 2, 16>, scalar_prefetch = 0 : i64, scratch_operands = 10 : i64, tpu.core_type = #tpu.core_type<sc_vector_subcore>, window_params = [{transform_indices = #map}, {transform_indices = #map1}, {transform_indices = #map1}, {transform_indices = #map}, {transform_indices = #map}, {transform_indices = #map}]} {
    %mul3A = arith.constant 2 : i32
    %mul3A_0 = arith.muli %arg1, %mul3A : i32
    %add3A = arith.addi %mul3A_0, %arg0 : i32
    %dma_start3A = arith.constant 0 : i32
    %dma_start3A_1 = arith.constant 0 : i32
    %dma_start3A_2 = tpu.memref_slice %arg4[%add3A, %dma_start3A, %dma_start3A_1] : memref<32x80x128xi32, #tpu.memory_space<hbm>> -> memref<1x80x128xi32, #tpu.memory_space<hbm>>
    %dma_start3A_3 = tpu.memref_squeeze %dma_start3A_2 : memref<1x80x128xi32, #tpu.memory_space<hbm>> -> memref<80x128xi32, #tpu.memory_space<hbm>>
    %dma_start3A_4 = arith.constant 0 : i32
    %dma_start3A_5 = arith.constant 0 : i32
    %dma_start3A_6 = tpu.memref_slice %arg4[%add3A, %dma_start3A_4, %dma_start3A_5] : memref<32x80x128xi32, #tpu.memory_space<hbm>> -> memref<1x80x128xi32, #tpu.memory_space<hbm>>
    %dma_start3A_7 = tpu.memref_squeeze %dma_start3A_6 : memref<1x80x128xi32, #tpu.memory_space<hbm>> -> memref<80x128xi32, #tpu.memory_space<hbm>>
    tpu.enqueue_dma source(%dma_start3A_7 : memref<80x128xi32, #tpu.memory_space<hbm>>) target(%arg8 : memref<80x128xi32, #tpu.memory_space<vmem>>) target_semaphore(%arg13 : memref<!tpu.dma_semaphore, #tpu.memory_space<semaphore_mem>>)
    %dma_start3A_8 = arith.constant 0 : i32
    %dma_start3A_9 = arith.constant 0 : i32
    %dma_start3A_10 = arith.constant 0 : i32
    %dma_start3A_11 = tpu.memref_slice %arg9[%dma_start3A_9, %dma_start3A_10] : memref<2x128xi32, #tpu.memory_space<vmem>> -> memref<1x128xi32, #tpu.memory_space<vmem>>
    %dma_start3A_12 = tpu.memref_squeeze %dma_start3A_11 : memref<1x128xi32, #tpu.memory_space<vmem>> -> memref<128xi32, #tpu.memory_space<vmem>>
    %dma_start3A_13 = arith.constant 0 : i32
    %dma_start3A_14 = tpu.memref_slice %arg3[%add3A, %dma_start3A_8, %dma_start3A_13] : memref<32x80x128xi32, #tpu.memory_space<hbm>> -> memref<1x1x128xi32, #tpu.memory_space<hbm>>
    %dma_start3A_15 = tpu.memref_squeeze %dma_start3A_14 : memref<1x1x128xi32, #tpu.memory_space<hbm>> -> memref<128xi32, #tpu.memory_space<hbm>>
    %dma_start3A_16 = arith.constant 0 : i32
    %dma_start3A_17 = tpu.memref_slice %arg9[%dma_start3A_9, %dma_start3A_16] : memref<2x128xi32, #tpu.memory_space<vmem>> -> memref<1x128xi32, #tpu.memory_space<vmem>>
    %dma_start3A_18 = tpu.memref_squeeze %dma_start3A_17 : memref<1x128xi32, #tpu.memory_space<vmem>> -> memref<128xi32, #tpu.memory_space<vmem>>
    %dma_start3A_19 = arith.constant 0 : i32
    %dma_start3A_20 = tpu.memref_slice %arg3[%add3A, %dma_start3A_8, %dma_start3A_19] : memref<32x80x128xi32, #tpu.memory_space<hbm>> -> memref<1x1x128xi32, #tpu.memory_space<hbm>>
    %dma_start3A_21 = tpu.memref_squeeze %dma_start3A_20 : memref<1x1x128xi32, #tpu.memory_space<hbm>> -> memref<128xi32, #tpu.memory_space<hbm>>
    tpu.enqueue_dma source(%dma_start3A_21 : memref<128xi32, #tpu.memory_space<hbm>>) target(%dma_start3A_18 : memref<128xi32, #tpu.memory_space<vmem>>) target_semaphore(%arg16 : memref<!tpu.dma_semaphore, #tpu.memory_space<semaphore_mem>>)
    %dma_start3A_22 = arith.constant 1 : i32
    %dma_start3A_23 = arith.constant 1 : i32
    %dma_start3A_24 = arith.constant 0 : i32
    %dma_start3A_25 = tpu.memref_slice %arg9[%dma_start3A_23, %dma_start3A_24] : memref<2x128xi32, #tpu.memory_space<vmem>> -> memref<1x128xi32, #tpu.memory_space<vmem>>
    %dma_start3A_26 = tpu.memref_squeeze %dma_start3A_25 : memref<1x128xi32, #tpu.memory_space<vmem>> -> memref<128xi32, #tpu.memory_space<vmem>>
    %dma_start3A_27 = arith.constant 0 : i32
    %dma_start3A_28 = tpu.memref_slice %arg3[%add3A, %dma_start3A_22, %dma_start3A_27] : memref<32x80x128xi32, #tpu.memory_space<hbm>> -> memref<1x1x128xi32, #tpu.memory_space<hbm>>
    %dma_start3A_29 = tpu.memref_squeeze %dma_start3A_28 : memref<1x1x128xi32, #tpu.memory_space<hbm>> -> memref<128xi32, #tpu.memory_space<hbm>>
    %dma_start3A_30 = arith.constant 0 : i32
    %dma_start3A_31 = tpu.memref_slice %arg9[%dma_start3A_23, %dma_start3A_30] : memref<2x128xi32, #tpu.memory_space<vmem>> -> memref<1x128xi32, #tpu.memory_space<vmem>>
    %dma_start3A_32 = tpu.memref_squeeze %dma_start3A_31 : memref<1x128xi32, #tpu.memory_space<vmem>> -> memref<128xi32, #tpu.memory_space<vmem>>
    %dma_start3A_33 = arith.constant 0 : i32
    %dma_start3A_34 = tpu.memref_slice %arg3[%add3A, %dma_start3A_22, %dma_start3A_33] : memref<32x80x128xi32, #tpu.memory_space<hbm>> -> memref<1x1x128xi32, #tpu.memory_space<hbm>>
    %dma_start3A_35 = tpu.memref_squeeze %dma_start3A_34 : memref<1x1x128xi32, #tpu.memory_space<hbm>> -> memref<128xi32, #tpu.memory_space<hbm>>
    tpu.enqueue_dma source(%dma_start3A_35 : memref<128xi32, #tpu.memory_space<hbm>>) target(%dma_start3A_32 : memref<128xi32, #tpu.memory_space<vmem>>) target_semaphore(%arg17 : memref<!tpu.dma_semaphore, #tpu.memory_space<semaphore_mem>>)
    %mul3A_36 = arith.constant 640 : i32
    %mul3A_37 = arith.muli %arg1, %mul3A_36 : i32
    "tpu.region"() ({
      %run_scoped3A = tpu.sem_alloc : memref<!tpu.dma_semaphore, #tpu.memory_space<semaphore_mem>>
      %dma_start3A_72 = arith.constant 0 : i32
      %dma_start3A_73 = tpu.memref_slice %arg12[%mul3A_37, %dma_start3A_72] : memref<10240x128xf32, #tpu.memory_space<vmem_shared>> -> memref<640x128xf32, #tpu.memory_space<vmem_shared>>
      tpu.enqueue_dma source(%arg5 : memref<640x128xf32, #tpu.memory_space<hbm>>) target(%dma_start3A_73 : memref<640x128xf32, #tpu.memory_space<vmem_shared>>) target_semaphore(%run_scoped3A : memref<!tpu.dma_semaphore, #tpu.memory_space<semaphore_mem>>)
      %dma_wait3A_74 = arith.constant 0 : i32
      %dma_wait3A_75 = tpu.memref_slice %arg12[%mul3A_37, %dma_wait3A_74] : memref<10240x128xf32, #tpu.memory_space<vmem_shared>> -> memref<640x128xf32, #tpu.memory_space<vmem_shared>>
      tpu.wait_dma2 semaphore(%run_scoped3A : memref<!tpu.dma_semaphore, #tpu.memory_space<semaphore_mem>>) src(%arg5 : memref<640x128xf32, #tpu.memory_space<hbm>>) dst(%dma_wait3A_75 : memref<640x128xf32, #tpu.memory_space<vmem_shared>>)
      tpu.yield
    }) : () -> ()
    %dma_wait3A = arith.constant 0 : i32
    %dma_wait3A_38 = arith.constant 0 : i32
    %dma_wait3A_39 = tpu.memref_slice %arg4[%add3A, %dma_wait3A, %dma_wait3A_38] : memref<32x80x128xi32, #tpu.memory_space<hbm>> -> memref<1x80x128xi32, #tpu.memory_space<hbm>>
    %dma_wait3A_40 = tpu.memref_squeeze %dma_wait3A_39 : memref<1x80x128xi32, #tpu.memory_space<hbm>> -> memref<80x128xi32, #tpu.memory_space<hbm>>
    %dma_wait3A_41 = arith.constant 0 : i32
    %dma_wait3A_42 = arith.constant 0 : i32
    %dma_wait3A_43 = tpu.memref_slice %arg4[%add3A, %dma_wait3A_41, %dma_wait3A_42] : memref<32x80x128xi32, #tpu.memory_space<hbm>> -> memref<1x80x128xi32, #tpu.memory_space<hbm>>
    %dma_wait3A_44 = tpu.memref_squeeze %dma_wait3A_43 : memref<1x80x128xi32, #tpu.memory_space<hbm>> -> memref<80x128xi32, #tpu.memory_space<hbm>>
    tpu.wait_dma2 semaphore(%arg13 : memref<!tpu.dma_semaphore, #tpu.memory_space<semaphore_mem>>) src(%dma_wait3A_44 : memref<80x128xi32, #tpu.memory_space<hbm>>) dst(%arg8 : memref<80x128xi32, #tpu.memory_space<vmem>>)
    %barrier3A = arith.constant 0 : index
    tpu.barrier barrier_id(%barrier3A)
    %dma_start3A_45 = arith.constant 0 : i32
    %dma_start3A_46 = arith.constant 0 : i32
    %dma_start3A_47 = tpu.memref_slice %arg8[%dma_start3A_45, %dma_start3A_46] : memref<80x128xi32, #tpu.memory_space<vmem>> -> memref<1x128xi32, #tpu.memory_space<vmem>>
    %dma_start3A_48 = tpu.memref_squeeze %dma_start3A_47 : memref<1x128xi32, #tpu.memory_space<vmem>> -> memref<128xi32, #tpu.memory_space<vmem>>
    %dma_start3A_49 = arith.constant 0 : i32
    %dma_start3A_50 = arith.constant 0 : i32
    %dma_start3A_51 = tpu.memref_slice %arg2[%dma_start3A_49, %dma_start3A_50] : memref<10000x128xf32, #tpu.memory_space<hbm>> -> memref<10000x128xf32, #tpu.memory_space<hbm>>
    tpu.enqueue_indirect_dma source(%dma_start3A_51 : memref<10000x128xf32, #tpu.memory_space<hbm>>) target(%arg10 : memref<128x128xf32, #tpu.memory_space<vmem>>) offsets(%dma_start3A_48 : memref<128xi32, #tpu.memory_space<vmem>>) semaphore(%arg14 : memref<!tpu.dma_semaphore, #tpu.memory_space<semaphore_mem>>)
    %dma_start3A_52 = arith.constant 1 : i32
    %dma_start3A_53 = arith.constant 0 : i32
    %dma_start3A_54 = tpu.memref_slice %arg8[%dma_start3A_52, %dma_start3A_53] : memref<80x128xi32, #tpu.memory_space<vmem>> -> memref<1x128xi32, #tpu.memory_space<vmem>>
    %dma_start3A_55 = tpu.memref_squeeze %dma_start3A_54 : memref<1x128xi32, #tpu.memory_space<vmem>> -> memref<128xi32, #tpu.memory_space<vmem>>
    %dma_start3A_56 = arith.constant 0 : i32
    %dma_start3A_57 = arith.constant 0 : i32
    %dma_start3A_58 = tpu.memref_slice %arg2[%dma_start3A_56, %dma_start3A_57] : memref<10000x128xf32, #tpu.memory_space<hbm>> -> memref<10000x128xf32, #tpu.memory_space<hbm>>
    tpu.enqueue_indirect_dma source(%dma_start3A_58 : memref<10000x128xf32, #tpu.memory_space<hbm>>) target(%arg11 : memref<128x128xf32, #tpu.memory_space<vmem>>) offsets(%dma_start3A_55 : memref<128xi32, #tpu.memory_space<vmem>>) semaphore(%arg15 : memref<!tpu.dma_semaphore, #tpu.memory_space<semaphore_mem>>)
    %scan3A = arith.constant 0 : i32
    %scan3A_59 = arith.constant 0 : i32
    %scan3A_60 = arith.constant 40 : i32
    %scan3A_61 = arith.addi %scan3A_59, %scan3A_60 : i32
    %scan3A_62 = arith.constant 1 : i32
    scf.for %scan3A_72 = %scan3A_59 to %scan3A_61 step %scan3A_62  : i32 {
      %mul3A_73 = arith.constant 2 : i32
      %mul3A_74 = arith.muli %scan3A_72, %mul3A_73 : i32
      %add3A_75 = arith.constant 0 : i32
      %add3A_76 = arith.addi %mul3A_74, %add3A_75 : i32
      %dma_wait3A_77 = arith.constant 0 : i32
      %dma_wait3A_78 = tpu.memref_slice %arg8[%add3A_76, %dma_wait3A_77] : memref<80x128xi32, #tpu.memory_space<vmem>> -> memref<1x128xi32, #tpu.memory_space<vmem>>
      %dma_wait3A_79 = tpu.memref_squeeze %dma_wait3A_78 : memref<1x128xi32, #tpu.memory_space<vmem>> -> memref<128xi32, #tpu.memory_space<vmem>>
      %dma_wait3A_80 = arith.constant 0 : i32
      %dma_wait3A_81 = arith.constant 0 : i32
      %dma_wait3A_82 = tpu.memref_slice %arg2[%dma_wait3A_80, %dma_wait3A_81] : memref<10000x128xf32, #tpu.memory_space<hbm>> -> memref<10000x128xf32, #tpu.memory_space<hbm>>
      tpu.wait_indirect_dma semaphore(%arg14 : memref<!tpu.dma_semaphore, #tpu.memory_space<semaphore_mem>>) src(%dma_wait3A_82 : memref<10000x128xf32, #tpu.memory_space<hbm>>) dst(%arg10 : memref<128x128xf32, #tpu.memory_space<vmem>>)
      %dma_wait3A_83 = arith.constant 0 : i32
      %dma_wait3A_84 = arith.constant 0 : i32
      %dma_wait3A_85 = tpu.memref_slice %arg9[%dma_wait3A_83, %dma_wait3A_84] : memref<2x128xi32, #tpu.memory_space<vmem>> -> memref<1x128xi32, #tpu.memory_space<vmem>>
      %dma_wait3A_86 = tpu.memref_squeeze %dma_wait3A_85 : memref<1x128xi32, #tpu.memory_space<vmem>> -> memref<128xi32, #tpu.memory_space<vmem>>
      %dma_wait3A_87 = arith.constant 0 : i32
      %dma_wait3A_88 = tpu.memref_slice %arg3[%add3A, %add3A_76, %dma_wait3A_87] : memref<32x80x128xi32, #tpu.memory_space<hbm>> -> memref<1x1x128xi32, #tpu.memory_space<hbm>>
      %dma_wait3A_89 = tpu.memref_squeeze %dma_wait3A_88 : memref<1x1x128xi32, #tpu.memory_space<hbm>> -> memref<128xi32, #tpu.memory_space<hbm>>
      %dma_wait3A_90 = arith.constant 0 : i32
      %dma_wait3A_91 = tpu.memref_slice %arg9[%dma_wait3A_83, %dma_wait3A_90] : memref<2x128xi32, #tpu.memory_space<vmem>> -> memref<1x128xi32, #tpu.memory_space<vmem>>
      %dma_wait3A_92 = tpu.memref_squeeze %dma_wait3A_91 : memref<1x128xi32, #tpu.memory_space<vmem>> -> memref<128xi32, #tpu.memory_space<vmem>>
      %dma_wait3A_93 = arith.constant 0 : i32
      %dma_wait3A_94 = tpu.memref_slice %arg3[%add3A, %add3A_76, %dma_wait3A_93] : memref<32x80x128xi32, #tpu.memory_space<hbm>> -> memref<1x1x128xi32, #tpu.memory_space<hbm>>
      %dma_wait3A_95 = tpu.memref_squeeze %dma_wait3A_94 : memref<1x1x128xi32, #tpu.memory_space<hbm>> -> memref<128xi32, #tpu.memory_space<hbm>>
      tpu.wait_dma2 semaphore(%arg16 : memref<!tpu.dma_semaphore, #tpu.memory_space<semaphore_mem>>) src(%dma_wait3A_95 : memref<128xi32, #tpu.memory_space<hbm>>) dst(%dma_wait3A_92 : memref<128xi32, #tpu.memory_space<vmem>>)
      %run_scoped3A = arith.constant 0 : i32
      "tpu.region"() ({
        %run_scoped3A_131 = tpu.sem_alloc : memref<!tpu.dma_semaphore, #tpu.memory_space<semaphore_mem>>
        %dma_start3A_132 = arith.constant 0 : i32
        %dma_start3A_133 = tpu.memref_slice %arg9[%run_scoped3A, %dma_start3A_132] : memref<2x128xi32, #tpu.memory_space<vmem>> -> memref<1x128xi32, #tpu.memory_space<vmem>>
        %dma_start3A_134 = tpu.memref_squeeze %dma_start3A_133 : memref<1x128xi32, #tpu.memory_space<vmem>> -> memref<128xi32, #tpu.memory_space<vmem>>
        %dma_start3A_135 = arith.constant 0 : i32
        %dma_start3A_136 = arith.constant 0 : i32
        %dma_start3A_137 = tpu.memref_slice %arg12[%dma_start3A_135, %dma_start3A_136] : memref<10240x128xf32, #tpu.memory_space<vmem_shared>> -> memref<10240x128xf32, #tpu.memory_space<vmem_shared>>
        tpu.enqueue_indirect_dma source(%arg10 : memref<128x128xf32, #tpu.memory_space<vmem>>) target(%dma_start3A_137 : memref<10240x128xf32, #tpu.memory_space<vmem_shared>>) offsets(%dma_start3A_134 : memref<128xi32, #tpu.memory_space<vmem>>) semaphore(%run_scoped3A_131 : memref<!tpu.dma_semaphore, #tpu.memory_space<semaphore_mem>>) {add = true}
        %dma_wait3A_138 = arith.constant 0 : i32
        %dma_wait3A_139 = tpu.memref_slice %arg9[%run_scoped3A, %dma_wait3A_138] : memref<2x128xi32, #tpu.memory_space<vmem>> -> memref<1x128xi32, #tpu.memory_space<vmem>>
        %dma_wait3A_140 = tpu.memref_squeeze %dma_wait3A_139 : memref<1x128xi32, #tpu.memory_space<vmem>> -> memref<128xi32, #tpu.memory_space<vmem>>
        %dma_wait3A_141 = arith.constant 0 : i32
        %dma_wait3A_142 = arith.constant 0 : i32
        %dma_wait3A_143 = tpu.memref_slice %arg12[%dma_wait3A_141, %dma_wait3A_142] : memref<10240x128xf32, #tpu.memory_space<vmem_shared>> -> memref<10240x128xf32, #tpu.memory_space<vmem_shared>>
        tpu.wait_indirect_dma semaphore(%run_scoped3A_131 : memref<!tpu.dma_semaphore, #tpu.memory_space<semaphore_mem>>) src(%arg10 : memref<128x128xf32, #tpu.memory_space<vmem>>) dst(%dma_wait3A_143 : memref<10240x128xf32, #tpu.memory_space<vmem_shared>>)
        tpu.yield
      }) : () -> ()
      %add3A_96 = arith.constant 2 : i32
      %add3A_97 = arith.addi %add3A_76, %add3A_96 : i32
      %lt3A = arith.constant 80 : i32
      %lt3A_98 = arith.cmpi slt, %add3A_97, %lt3A : i32
      %convert_element_type3A_99 = arith.extui %lt3A_98 : i1 to i32
      %cond3A_100 = arith.constant 0 : i32
      %cond3A_101 = arith.cmpi ne, %convert_element_type3A_99, %cond3A_100 : i32
      scf.if %cond3A_101 {
        %add3A_131 = arith.constant 2 : i32
        %add3A_132 = arith.addi %add3A_76, %add3A_131 : i32
        %dma_start3A_133 = arith.constant 0 : i32
        %dma_start3A_134 = tpu.memref_slice %arg8[%add3A_132, %dma_start3A_133] : memref<80x128xi32, #tpu.memory_space<vmem>> -> memref<1x128xi32, #tpu.memory_space<vmem>>
        %dma_start3A_135 = tpu.memref_squeeze %dma_start3A_134 : memref<1x128xi32, #tpu.memory_space<vmem>> -> memref<128xi32, #tpu.memory_space<vmem>>
        %dma_start3A_136 = arith.constant 0 : i32
        %dma_start3A_137 = arith.constant 0 : i32
        %dma_start3A_138 = tpu.memref_slice %arg2[%dma_start3A_136, %dma_start3A_137] : memref<10000x128xf32, #tpu.memory_space<hbm>> -> memref<10000x128xf32, #tpu.memory_space<hbm>>
        tpu.enqueue_indirect_dma source(%dma_start3A_138 : memref<10000x128xf32, #tpu.memory_space<hbm>>) target(%arg10 : memref<128x128xf32, #tpu.memory_space<vmem>>) offsets(%dma_start3A_135 : memref<128xi32, #tpu.memory_space<vmem>>) semaphore(%arg14 : memref<!tpu.dma_semaphore, #tpu.memory_space<semaphore_mem>>)
        %add3A_139 = arith.constant 2 : i32
        %add3A_140 = arith.addi %add3A_76, %add3A_139 : i32
        %dma_start3A_141 = arith.constant 0 : i32
        %dma_start3A_142 = arith.constant 0 : i32
        %dma_start3A_143 = tpu.memref_slice %arg9[%dma_start3A_141, %dma_start3A_142] : memref<2x128xi32, #tpu.memory_space<vmem>> -> memref<1x128xi32, #tpu.memory_space<vmem>>
        %dma_start3A_144 = tpu.memref_squeeze %dma_start3A_143 : memref<1x128xi32, #tpu.memory_space<vmem>> -> memref<128xi32, #tpu.memory_space<vmem>>
        %dma_start3A_145 = arith.constant 0 : i32
        %dma_start3A_146 = tpu.memref_slice %arg3[%add3A, %add3A_140, %dma_start3A_145] : memref<32x80x128xi32, #tpu.memory_space<hbm>> -> memref<1x1x128xi32, #tpu.memory_space<hbm>>
        %dma_start3A_147 = tpu.memref_squeeze %dma_start3A_146 : memref<1x1x128xi32, #tpu.memory_space<hbm>> -> memref<128xi32, #tpu.memory_space<hbm>>
        %dma_start3A_148 = arith.constant 0 : i32
        %dma_start3A_149 = tpu.memref_slice %arg9[%dma_start3A_141, %dma_start3A_148] : memref<2x128xi32, #tpu.memory_space<vmem>> -> memref<1x128xi32, #tpu.memory_space<vmem>>
        %dma_start3A_150 = tpu.memref_squeeze %dma_start3A_149 : memref<1x128xi32, #tpu.memory_space<vmem>> -> memref<128xi32, #tpu.memory_space<vmem>>
        %dma_start3A_151 = arith.constant 0 : i32
        %dma_start3A_152 = tpu.memref_slice %arg3[%add3A, %add3A_140, %dma_start3A_151] : memref<32x80x128xi32, #tpu.memory_space<hbm>> -> memref<1x1x128xi32, #tpu.memory_space<hbm>>
        %dma_start3A_153 = tpu.memref_squeeze %dma_start3A_152 : memref<1x1x128xi32, #tpu.memory_space<hbm>> -> memref<128xi32, #tpu.memory_space<hbm>>
        tpu.enqueue_dma source(%dma_start3A_153 : memref<128xi32, #tpu.memory_space<hbm>>) target(%dma_start3A_150 : memref<128xi32, #tpu.memory_space<vmem>>) target_semaphore(%arg16 : memref<!tpu.dma_semaphore, #tpu.memory_space<semaphore_mem>>)
      } else {
      }
      %add3A_102 = arith.constant 1 : i32
      %add3A_103 = arith.addi %mul3A_74, %add3A_102 : i32
      %dma_wait3A_104 = arith.constant 0 : i32
      %dma_wait3A_105 = tpu.memref_slice %arg8[%add3A_103, %dma_wait3A_104] : memref<80x128xi32, #tpu.memory_space<vmem>> -> memref<1x128xi32, #tpu.memory_space<vmem>>
      %dma_wait3A_106 = tpu.memref_squeeze %dma_wait3A_105 : memref<1x128xi32, #tpu.memory_space<vmem>> -> memref<128xi32, #tpu.memory_space<vmem>>
      %dma_wait3A_107 = arith.constant 0 : i32
      %dma_wait3A_108 = arith.constant 0 : i32
      %dma_wait3A_109 = tpu.memref_slice %arg2[%dma_wait3A_107, %dma_wait3A_108] : memref<10000x128xf32, #tpu.memory_space<hbm>> -> memref<10000x128xf32, #tpu.memory_space<hbm>>
      tpu.wait_indirect_dma semaphore(%arg15 : memref<!tpu.dma_semaphore, #tpu.memory_space<semaphore_mem>>) src(%dma_wait3A_109 : memref<10000x128xf32, #tpu.memory_space<hbm>>) dst(%arg11 : memref<128x128xf32, #tpu.memory_space<vmem>>)
      %dma_wait3A_110 = arith.constant 1 : i32
      %dma_wait3A_111 = arith.constant 0 : i32
      %dma_wait3A_112 = tpu.memref_slice %arg9[%dma_wait3A_110, %dma_wait3A_111] : memref<2x128xi32, #tpu.memory_space<vmem>> -> memref<1x128xi32, #tpu.memory_space<vmem>>
      %dma_wait3A_113 = tpu.memref_squeeze %dma_wait3A_112 : memref<1x128xi32, #tpu.memory_space<vmem>> -> memref<128xi32, #tpu.memory_space<vmem>>
      %dma_wait3A_114 = arith.constant 0 : i32
      %dma_wait3A_115 = tpu.memref_slice %arg3[%add3A, %add3A_103, %dma_wait3A_114] : memref<32x80x128xi32, #tpu.memory_space<hbm>> -> memref<1x1x128xi32, #tpu.memory_space<hbm>>
      %dma_wait3A_116 = tpu.memref_squeeze %dma_wait3A_115 : memref<1x1x128xi32, #tpu.memory_space<hbm>> -> memref<128xi32, #tpu.memory_space<hbm>>
      %dma_wait3A_117 = arith.constant 0 : i32
      %dma_wait3A_118 = tpu.memref_slice %arg9[%dma_wait3A_110, %dma_wait3A_117] : memref<2x128xi32, #tpu.memory_space<vmem>> -> memref<1x128xi32, #tpu.memory_space<vmem>>
      %dma_wait3A_119 = tpu.memref_squeeze %dma_wait3A_118 : memref<1x128xi32, #tpu.memory_space<vmem>> -> memref<128xi32, #tpu.memory_space<vmem>>
      %dma_wait3A_120 = arith.constant 0 : i32
      %dma_wait3A_121 = tpu.memref_slice %arg3[%add3A, %add3A_103, %dma_wait3A_120] : memref<32x80x128xi32, #tpu.memory_space<hbm>> -> memref<1x1x128xi32, #tpu.memory_space<hbm>>
      %dma_wait3A_122 = tpu.memref_squeeze %dma_wait3A_121 : memref<1x1x128xi32, #tpu.memory_space<hbm>> -> memref<128xi32, #tpu.memory_space<hbm>>
      tpu.wait_dma2 semaphore(%arg17 : memref<!tpu.dma_semaphore, #tpu.memory_space<semaphore_mem>>) src(%dma_wait3A_122 : memref<128xi32, #tpu.memory_space<hbm>>) dst(%dma_wait3A_119 : memref<128xi32, #tpu.memory_space<vmem>>)
      %run_scoped3A_123 = arith.constant 1 : i32
      "tpu.region"() ({
        %run_scoped3A_131 = tpu.sem_alloc : memref<!tpu.dma_semaphore, #tpu.memory_space<semaphore_mem>>
        %dma_start3A_132 = arith.constant 0 : i32
        %dma_start3A_133 = tpu.memref_slice %arg9[%run_scoped3A_123, %dma_start3A_132] : memref<2x128xi32, #tpu.memory_space<vmem>> -> memref<1x128xi32, #tpu.memory_space<vmem>>
        %dma_start3A_134 = tpu.memref_squeeze %dma_start3A_133 : memref<1x128xi32, #tpu.memory_space<vmem>> -> memref<128xi32, #tpu.memory_space<vmem>>
        %dma_start3A_135 = arith.constant 0 : i32
        %dma_start3A_136 = arith.constant 0 : i32
        %dma_start3A_137 = tpu.memref_slice %arg12[%dma_start3A_135, %dma_start3A_136] : memref<10240x128xf32, #tpu.memory_space<vmem_shared>> -> memref<10240x128xf32, #tpu.memory_space<vmem_shared>>
        tpu.enqueue_indirect_dma source(%arg11 : memref<128x128xf32, #tpu.memory_space<vmem>>) target(%dma_start3A_137 : memref<10240x128xf32, #tpu.memory_space<vmem_shared>>) offsets(%dma_start3A_134 : memref<128xi32, #tpu.memory_space<vmem>>) semaphore(%run_scoped3A_131 : memref<!tpu.dma_semaphore, #tpu.memory_space<semaphore_mem>>) {add = true}
        %dma_wait3A_138 = arith.constant 0 : i32
        %dma_wait3A_139 = tpu.memref_slice %arg9[%run_scoped3A_123, %dma_wait3A_138] : memref<2x128xi32, #tpu.memory_space<vmem>> -> memref<1x128xi32, #tpu.memory_space<vmem>>
        %dma_wait3A_140 = tpu.memref_squeeze %dma_wait3A_139 : memref<1x128xi32, #tpu.memory_space<vmem>> -> memref<128xi32, #tpu.memory_space<vmem>>
        %dma_wait3A_141 = arith.constant 0 : i32
        %dma_wait3A_142 = arith.constant 0 : i32
        %dma_wait3A_143 = tpu.memref_slice %arg12[%dma_wait3A_141, %dma_wait3A_142] : memref<10240x128xf32, #tpu.memory_space<vmem_shared>> -> memref<10240x128xf32, #tpu.memory_space<vmem_shared>>
        tpu.wait_indirect_dma semaphore(%run_scoped3A_131 : memref<!tpu.dma_semaphore, #tpu.memory_space<semaphore_mem>>) src(%arg11 : memref<128x128xf32, #tpu.memory_space<vmem>>) dst(%dma_wait3A_143 : memref<10240x128xf32, #tpu.memory_space<vmem_shared>>)
        tpu.yield
      }) : () -> ()
      %add3A_124 = arith.constant 2 : i32
      %add3A_125 = arith.addi %add3A_103, %add3A_124 : i32
      %lt3A_126 = arith.constant 80 : i32
      %lt3A_127 = arith.cmpi slt, %add3A_125, %lt3A_126 : i32
      %convert_element_type3A_128 = arith.extui %lt3A_127 : i1 to i32
      %cond3A_129 = arith.constant 0 : i32
      %cond3A_130 = arith.cmpi ne, %convert_element_type3A_128, %cond3A_129 : i32
      scf.if %cond3A_130 {
        %add3A_131 = arith.constant 2 : i32
        %add3A_132 = arith.addi %add3A_103, %add3A_131 : i32
        %dma_start3A_133 = arith.constant 0 : i32
        %dma_start3A_134 = tpu.memref_slice %arg8[%add3A_132, %dma_start3A_133] : memref<80x128xi32, #tpu.memory_space<vmem>> -> memref<1x128xi32, #tpu.memory_space<vmem>>
        %dma_start3A_135 = tpu.memref_squeeze %dma_start3A_134 : memref<1x128xi32, #tpu.memory_space<vmem>> -> memref<128xi32, #tpu.memory_space<vmem>>
        %dma_start3A_136 = arith.constant 0 : i32
        %dma_start3A_137 = arith.constant 0 : i32
        %dma_start3A_138 = tpu.memref_slice %arg2[%dma_start3A_136, %dma_start3A_137] : memref<10000x128xf32, #tpu.memory_space<hbm>> -> memref<10000x128xf32, #tpu.memory_space<hbm>>
        tpu.enqueue_indirect_dma source(%dma_start3A_138 : memref<10000x128xf32, #tpu.memory_space<hbm>>) target(%arg11 : memref<128x128xf32, #tpu.memory_space<vmem>>) offsets(%dma_start3A_135 : memref<128xi32, #tpu.memory_space<vmem>>) semaphore(%arg15 : memref<!tpu.dma_semaphore, #tpu.memory_space<semaphore_mem>>)
        %add3A_139 = arith.constant 2 : i32
        %add3A_140 = arith.addi %add3A_103, %add3A_139 : i32
        %dma_start3A_141 = arith.constant 1 : i32
        %dma_start3A_142 = arith.constant 0 : i32
        %dma_start3A_143 = tpu.memref_slice %arg9[%dma_start3A_141, %dma_start3A_142] : memref<2x128xi32, #tpu.memory_space<vmem>> -> memref<1x128xi32, #tpu.memory_space<vmem>>
        %dma_start3A_144 = tpu.memref_squeeze %dma_start3A_143 : memref<1x128xi32, #tpu.memory_space<vmem>> -> memref<128xi32, #tpu.memory_space<vmem>>
        %dma_start3A_145 = arith.constant 0 : i32
        %dma_start3A_146 = tpu.memref_slice %arg3[%add3A, %add3A_140, %dma_start3A_145] : memref<32x80x128xi32, #tpu.memory_space<hbm>> -> memref<1x1x128xi32, #tpu.memory_space<hbm>>
        %dma_start3A_147 = tpu.memref_squeeze %dma_start3A_146 : memref<1x1x128xi32, #tpu.memory_space<hbm>> -> memref<128xi32, #tpu.memory_space<hbm>>
        %dma_start3A_148 = arith.constant 0 : i32
        %dma_start3A_149 = tpu.memref_slice %arg9[%dma_start3A_141, %dma_start3A_148] : memref<2x128xi32, #tpu.memory_space<vmem>> -> memref<1x128xi32, #tpu.memory_space<vmem>>
        %dma_start3A_150 = tpu.memref_squeeze %dma_start3A_149 : memref<1x128xi32, #tpu.memory_space<vmem>> -> memref<128xi32, #tpu.memory_space<vmem>>
        %dma_start3A_151 = arith.constant 0 : i32
        %dma_start3A_152 = tpu.memref_slice %arg3[%add3A, %add3A_140, %dma_start3A_151] : memref<32x80x128xi32, #tpu.memory_space<hbm>> -> memref<1x1x128xi32, #tpu.memory_space<hbm>>
        %dma_start3A_153 = tpu.memref_squeeze %dma_start3A_152 : memref<1x1x128xi32, #tpu.memory_space<hbm>> -> memref<128xi32, #tpu.memory_space<hbm>>
        tpu.enqueue_dma source(%dma_start3A_153 : memref<128xi32, #tpu.memory_space<hbm>>) target(%dma_start3A_150 : memref<128xi32, #tpu.memory_space<vmem>>) target_semaphore(%arg17 : memref<!tpu.dma_semaphore, #tpu.memory_space<semaphore_mem>>)
      } else {
      }
    }
    %scan3A_63 = arith.constant 40 : i32
    %barrier3A_64 = arith.constant 0 : index
    tpu.barrier barrier_id(%barrier3A_64)
    %eq3A = arith.constant 0 : i32
    %eq3A_65 = arith.cmpi eq, %arg0, %eq3A : i32
    %convert_element_type3A = arith.extui %eq3A_65 : i1 to i32
    %cond3A = arith.constant 0 : i32
    %cond3A_66 = arith.cmpi ne, %convert_element_type3A, %cond3A : i32
    scf.if %cond3A_66 {
      %mul3A_72 = arith.constant 640 : i32
      %mul3A_73 = arith.muli %arg1, %mul3A_72 : i32
      %mul3A_74 = arith.constant 640 : i32
      %mul3A_75 = arith.muli %arg1, %mul3A_74 : i32
      "tpu.region"() ({
        %run_scoped3A = tpu.sem_alloc : memref<!tpu.dma_semaphore, #tpu.memory_space<semaphore_mem>>
        %dma_start3A_76 = arith.constant 0 : i32
        %dma_start3A_77 = tpu.memref_slice %arg6[%mul3A_75, %dma_start3A_76] : memref<10240x128xf32, #tpu.memory_space<hbm>> -> memref<640x128xf32, #tpu.memory_space<hbm>>
        %dma_start3A_78 = arith.constant 0 : i32
        %dma_start3A_79 = tpu.memref_slice %arg12[%mul3A_73, %dma_start3A_78] : memref<10240x128xf32, #tpu.memory_space<vmem_shared>> -> memref<640x128xf32, #tpu.memory_space<vmem_shared>>
        tpu.enqueue_dma source(%dma_start3A_79 : memref<640x128xf32, #tpu.memory_space<vmem_shared>>) target(%dma_start3A_77 : memref<640x128xf32, #tpu.memory_space<hbm>>) target_semaphore(%run_scoped3A : memref<!tpu.dma_semaphore, #tpu.memory_space<semaphore_mem>>)
        %dma_wait3A_80 = arith.constant 0 : i32
        %dma_wait3A_81 = tpu.memref_slice %arg6[%mul3A_75, %dma_wait3A_80] : memref<10240x128xf32, #tpu.memory_space<hbm>> -> memref<640x128xf32, #tpu.memory_space<hbm>>
        %dma_wait3A_82 = arith.constant 0 : i32
        %dma_wait3A_83 = tpu.memref_slice %arg12[%mul3A_73, %dma_wait3A_82] : memref<10240x128xf32, #tpu.memory_space<vmem_shared>> -> memref<640x128xf32, #tpu.memory_space<vmem_shared>>
        tpu.wait_dma2 semaphore(%run_scoped3A : memref<!tpu.dma_semaphore, #tpu.memory_space<semaphore_mem>>) src(%dma_wait3A_83 : memref<640x128xf32, #tpu.memory_space<vmem_shared>>) dst(%dma_wait3A_81 : memref<640x128xf32, #tpu.memory_space<hbm>>)
        tpu.yield
      }) : () -> ()
    } else {
    }
    %eq3A_67 = arith.constant 1 : i32
    %eq3A_68 = arith.cmpi eq, %arg0, %eq3A_67 : i32
    %convert_element_type3A_69 = arith.extui %eq3A_68 : i1 to i32
    %cond3A_70 = arith.constant 0 : i32
    %cond3A_71 = arith.cmpi ne, %convert_element_type3A_69, %cond3A_70 : i32
    scf.if %cond3A_71 {
      %mul3A_72 = arith.constant 640 : i32
      %mul3A_73 = arith.muli %arg1, %mul3A_72 : i32
      %mul3A_74 = arith.constant 640 : i32
      %mul3A_75 = arith.muli %arg1, %mul3A_74 : i32
      "tpu.region"() ({
        %run_scoped3A = tpu.sem_alloc : memref<!tpu.dma_semaphore, #tpu.memory_space<semaphore_mem>>
        %dma_start3A_76 = arith.constant 0 : i32
        %dma_start3A_77 = tpu.memref_slice %arg7[%mul3A_75, %dma_start3A_76] : memref<10240x128xf32, #tpu.memory_space<hbm>> -> memref<640x128xf32, #tpu.memory_space<hbm>>
        %dma_start3A_78 = arith.constant 0 : i32
        %dma_start3A_79 = tpu.memref_slice %arg12[%mul3A_73, %dma_start3A_78] : memref<10240x128xf32, #tpu.memory_space<vmem_shared>> -> memref<640x128xf32, #tpu.memory_space<vmem_shared>>
        tpu.enqueue_dma source(%dma_start3A_79 : memref<640x128xf32, #tpu.memory_space<vmem_shared>>) target(%dma_start3A_77 : memref<640x128xf32, #tpu.memory_space<hbm>>) target_semaphore(%run_scoped3A : memref<!tpu.dma_semaphore, #tpu.memory_space<semaphore_mem>>)
        %dma_wait3A_80 = arith.constant 0 : i32
        %dma_wait3A_81 = tpu.memref_slice %arg7[%mul3A_75, %dma_wait3A_80] : memref<10240x128xf32, #tpu.memory_space<hbm>> -> memref<640x128xf32, #tpu.memory_space<hbm>>
        %dma_wait3A_82 = arith.constant 0 : i32
        %dma_wait3A_83 = tpu.memref_slice %arg12[%mul3A_73, %dma_wait3A_82] : memref<10240x128xf32, #tpu.memory_space<vmem_shared>> -> memref<640x128xf32, #tpu.memory_space<vmem_shared>>
        tpu.wait_dma2 semaphore(%run_scoped3A : memref<!tpu.dma_semaphore, #tpu.memory_space<semaphore_mem>>) src(%dma_wait3A_83 : memref<640x128xf32, #tpu.memory_space<vmem_shared>>) dst(%dma_wait3A_81 : memref<640x128xf32, #tpu.memory_space<hbm>>)
        tpu.yield
      }) : () -> ()
    } else {
    }
    return
  }
}

module attributes {stable_mosaic.version = 14 : i64} {
  func.func @_prep_body(%arg0: i32, %arg1: memref<2000x128xf32, #tpu.memory_space<vmem>>, %arg2: memref<2000x2xf32, #tpu.memory_space<vmem>>, %arg3: memref<2000x128xf32, #tpu.memory_space<vmem>>) attributes {dimension_semantics = [#tpu.dimension_semantics<arbitrary>], iteration_bounds = array<i64: 5>, scalar_prefetch = 0 : i64, scratch_operands = 0 : i64, tpu.core_type = #tpu.core_type<tc>, window_params = [{transform_indices = @transform_0, window_bounds = array<i64: 2000, 128>}, {transform_indices = @transform_1, window_bounds = array<i64: 2000, 2>}, {transform_indices = @transform_2, window_bounds = array<i64: 2000, 128>}]} {
    %get3A = arith.constant 0 : index
    %get3A_0 = arith.constant 0 : index
    %get3A_1 = vector.load %arg1[%get3A, %get3A_0] : memref<2000x128xf32, #tpu.memory_space<vmem>>, vector<2000x128xf32>
    %get3A_2 = arith.constant 0 : index
    %get3A_3 = arith.constant 0 : index
    %get3A_4 = vector.load %arg2[%get3A_2, %get3A_3] : memref<2000x2xf32, #tpu.memory_space<vmem>>, vector<2000x1xf32>
    %get3A_5 = arith.constant 0 : index
    %get3A_6 = arith.constant 1 : index
    %get3A_7 = vector.load %arg2[%get3A_5, %get3A_6] : memref<2000x2xf32, #tpu.memory_space<vmem>>, vector<2000x1xf32>
    %add3A = arith.addf %get3A_4, %get3A_7 : vector<2000x1xf32>
    %gt3A = arith.constant 0.000000e+00 : f32
    %gt3A_8 = vector.broadcast %gt3A : f32 to vector<2000x1xf32>
    %gt3A_9 = arith.cmpf ogt, %add3A, %gt3A_8 : vector<2000x1xf32>
    %rsqrt3A = math.rsqrt %add3A : vector<2000x1xf32>
    %jit3A = arith.constant 0.000000e+00 : f32
    %broadcast_in_dim3A = vector.broadcast %jit3A : f32 to vector<2000x1xf32>
    %select_n3A = arith.select %gt3A_9, %rsqrt3A, %broadcast_in_dim3A : vector<2000x1xi1>, vector<2000x1xf32>
    %mul3A = vector.broadcast %select_n3A : vector<2000x1xf32> to vector<2000x128xf32>
    %mul3A_10 = arith.mulf %get3A_1, %mul3A : vector<2000x128xf32>
    %swap3A = arith.constant 0 : index
    %swap3A_11 = arith.constant 0 : index
    %swap3A_12 = vector.load %arg3[%swap3A, %swap3A_11] : memref<2000x128xf32, #tpu.memory_space<vmem>>, vector<2000x128xf32>
    tpu.vector_store %arg3[%swap3A, %swap3A_11], %mul3A_10 {strides = array<i32>} : memref<2000x128xf32, #tpu.memory_space<vmem>>, vector<2000x128xf32>,
    return
  }
  func.func @transform_0(%arg0: i32) -> (i32, i32) {
    %c0_i32 = arith.constant 0 : i32
    %c0_i32_0 = arith.constant 0 : i32
    return %arg0, %c0_i32 : i32, i32
  }
  func.func @transform_1(%arg0: i32) -> (i32, i32) {
    %c0_i32 = arith.constant 0 : i32
    %c0_i32_0 = arith.constant 0 : i32
    return %arg0, %c0_i32 : i32, i32
  }
  func.func @transform_2(%arg0: i32) -> (i32, i32) {
    %c0_i32 = arith.constant 0 : i32
    %c0_i32_0 = arith.constant 0 : i32
    return %arg0, %c0_i32 : i32, i32
  }
}

module attributes {stable_mosaic.version = 14 : i64} {
  func.func @_mid_body(%arg0: i32, %arg1: memref<2000x128xf32, #tpu.memory_space<vmem>>, %arg2: memref<2000x128xf32, #tpu.memory_space<vmem>>, %arg3: memref<2000x2xf32, #tpu.memory_space<vmem>>, %arg4: memref<2000x128xf32, #tpu.memory_space<vmem>>, %arg5: memref<2000x128xf32, #tpu.memory_space<vmem>>) attributes {dimension_semantics = [#tpu.dimension_semantics<arbitrary>], iteration_bounds = array<i64: 5>, scalar_prefetch = 0 : i64, scratch_operands = 0 : i64, tpu.core_type = #tpu.core_type<tc>, window_params = [{transform_indices = @transform_0, window_bounds = array<i64: 2000, 128>}, {transform_indices = @transform_1, window_bounds = array<i64: 2000, 128>}, {transform_indices = @transform_2, window_bounds = array<i64: 2000, 2>}, {transform_indices = @transform_3, window_bounds = array<i64: 2000, 128>}, {transform_indices = @transform_4, window_bounds = array<i64: 2000, 128>}]} {
    %get3A = arith.constant 0 : index
    %get3A_0 = arith.constant 0 : index
    %get3A_1 = vector.load %arg3[%get3A, %get3A_0] : memref<2000x2xf32, #tpu.memory_space<vmem>>, vector<2000x1xf32>
    %get3A_2 = arith.constant 0 : index
    %get3A_3 = arith.constant 1 : index
    %get3A_4 = vector.load %arg3[%get3A_2, %get3A_3] : memref<2000x2xf32, #tpu.memory_space<vmem>>, vector<2000x1xf32>
    %add3A = arith.addf %get3A_1, %get3A_4 : vector<2000x1xf32>
    %gt3A = arith.constant 0.000000e+00 : f32
    %gt3A_5 = vector.broadcast %gt3A : f32 to vector<2000x1xf32>
    %gt3A_6 = arith.cmpf ogt, %add3A, %gt3A_5 : vector<2000x1xf32>
    %rsqrt3A = math.rsqrt %add3A : vector<2000x1xf32>
    %jit3A = arith.constant 0.000000e+00 : f32
    %broadcast_in_dim3A = vector.broadcast %jit3A : f32 to vector<2000x1xf32>
    %select_n3A = arith.select %gt3A_6, %rsqrt3A, %broadcast_in_dim3A : vector<2000x1xi1>, vector<2000x1xf32>
    %get3A_7 = arith.constant 0 : index
    %get3A_8 = arith.constant 0 : index
    %get3A_9 = vector.load %arg1[%get3A_7, %get3A_8] : memref<2000x128xf32, #tpu.memory_space<vmem>>, vector<2000x128xf32>
    %get3A_10 = arith.constant 0 : index
    %get3A_11 = arith.constant 0 : index
    %get3A_12 = vector.load %arg2[%get3A_10, %get3A_11] : memref<2000x128xf32, #tpu.memory_space<vmem>>, vector<2000x128xf32>
    %add3A_13 = arith.addf %get3A_9, %get3A_12 : vector<2000x128xf32>
    %mul3A = vector.broadcast %select_n3A : vector<2000x1xf32> to vector<2000x128xf32>
    %mul3A_14 = arith.mulf %add3A_13, %mul3A : vector<2000x128xf32>
    %neg3A = arith.constant 0.000000e+00 : f32
    %neg3A_15 = vector.broadcast %neg3A : f32 to vector<2000x128xf32>
    %neg3A_16 = arith.subf %neg3A_15, %mul3A_14 : vector<2000x128xf32>
    %swap3A = arith.constant 0 : index
    %swap3A_17 = arith.constant 0 : index
    %swap3A_18 = vector.load %arg4[%swap3A, %swap3A_17] : memref<2000x128xf32, #tpu.memory_space<vmem>>, vector<2000x128xf32>
    tpu.vector_store %arg4[%swap3A, %swap3A_17], %neg3A_16 {strides = array<i32>} : memref<2000x128xf32, #tpu.memory_space<vmem>>, vector<2000x128xf32>,
    %mul3A_19 = vector.broadcast %select_n3A : vector<2000x1xf32> to vector<2000x128xf32>
    %mul3A_20 = arith.mulf %neg3A_16, %mul3A_19 : vector<2000x128xf32>
    %swap3A_21 = arith.constant 0 : index
    %swap3A_22 = arith.constant 0 : index
    %swap3A_23 = vector.load %arg5[%swap3A_21, %swap3A_22] : memref<2000x128xf32, #tpu.memory_space<vmem>>, vector<2000x128xf32>
    tpu.vector_store %arg5[%swap3A_21, %swap3A_22], %mul3A_20 {strides = array<i32>} : memref<2000x128xf32, #tpu.memory_space<vmem>>, vector<2000x128xf32>,
    return
  }
  func.func @transform_0(%arg0: i32) -> (i32, i32) {
    %c0_i32 = arith.constant 0 : i32
    %c0_i32_0 = arith.constant 0 : i32
    return %arg0, %c0_i32 : i32, i32
  }
  func.func @transform_1(%arg0: i32) -> (i32, i32) {
    %c0_i32 = arith.constant 0 : i32
    %c0_i32_0 = arith.constant 0 : i32
    return %arg0, %c0_i32 : i32, i32
  }
  func.func @transform_2(%arg0: i32) -> (i32, i32) {
    %c0_i32 = arith.constant 0 : i32
    %c0_i32_0 = arith.constant 0 : i32
    return %arg0, %c0_i32 : i32, i32
  }
  func.func @transform_3(%arg0: i32) -> (i32, i32) {
    %c0_i32 = arith.constant 0 : i32
    %c0_i32_0 = arith.constant 0 : i32
    return %arg0, %c0_i32 : i32, i32
  }
  func.func @transform_4(%arg0: i32) -> (i32, i32) {
    %c0_i32 = arith.constant 0 : i32
    %c0_i32_0 = arith.constant 0 : i32
    return %arg0, %c0_i32 : i32, i32
  }
}

module attributes {stable_mosaic.version = 14 : i64} {
  func.func @_final_body(%arg0: i32, %arg1: memref<2000x128xf32, #tpu.memory_space<vmem>>, %arg2: memref<2000x128xf32, #tpu.memory_space<vmem>>, %arg3: memref<2000x128xf32, #tpu.memory_space<vmem>>, %arg4: memref<2000x128xf32, #tpu.memory_space<vmem>>, %arg5: memref<2000x2xf32, #tpu.memory_space<vmem>>, %arg6: memref<3x128x128xf32, #tpu.memory_space<vmem>>, %arg7: memref<1x128xf32, #tpu.memory_space<vmem>>, %arg8: memref<2000x128xf32, #tpu.memory_space<vmem>>) attributes {dimension_semantics = [#tpu.dimension_semantics<arbitrary>], iteration_bounds = array<i64: 5>, scalar_prefetch = 0 : i64, scratch_operands = 0 : i64, tpu.core_type = #tpu.core_type<tc>, window_params = [{transform_indices = @transform_0, window_bounds = array<i64: 2000, 128>}, {transform_indices = @transform_1, window_bounds = array<i64: 2000, 128>}, {transform_indices = @transform_2, window_bounds = array<i64: 2000, 128>}, {transform_indices = @transform_3, window_bounds = array<i64: 2000, 128>}, {transform_indices = @transform_4, window_bounds = array<i64: 2000, 2>}, {pipeline_mode = #tpu.pipeline_mode<synchronous>, transform_indices = @transform_5, window_bounds = array<i64: 3, 128, 128>}, {pipeline_mode = #tpu.pipeline_mode<synchronous>, transform_indices = @transform_6, window_bounds = array<i64: 1, 128>}, {transform_indices = @transform_7, window_bounds = array<i64: 2000, 128>}]} {
    %get3A = arith.constant 0 : index
    %get3A_0 = arith.constant 0 : index
    %get3A_1 = vector.load %arg5[%get3A, %get3A_0] : memref<2000x2xf32, #tpu.memory_space<vmem>>, vector<2000x1xf32>
    %get3A_2 = arith.constant 0 : index
    %get3A_3 = arith.constant 1 : index
    %get3A_4 = vector.load %arg5[%get3A_2, %get3A_3] : memref<2000x2xf32, #tpu.memory_space<vmem>>, vector<2000x1xf32>
    %add3A = arith.addf %get3A_1, %get3A_4 : vector<2000x1xf32>
    %gt3A = arith.constant 0.000000e+00 : f32
    %gt3A_5 = vector.broadcast %gt3A : f32 to vector<2000x1xf32>
    %gt3A_6 = arith.cmpf ogt, %add3A, %gt3A_5 : vector<2000x1xf32>
    %rsqrt3A = math.rsqrt %add3A : vector<2000x1xf32>
    %jit3A = arith.constant 0.000000e+00 : f32
    %broadcast_in_dim3A = vector.broadcast %jit3A : f32 to vector<2000x1xf32>
    %select_n3A = arith.select %gt3A_6, %rsqrt3A, %broadcast_in_dim3A : vector<2000x1xi1>, vector<2000x1xf32>
    %get3A_7 = arith.constant 0 : index
    %get3A_8 = arith.constant 0 : index
    %get3A_9 = vector.load %arg3[%get3A_7, %get3A_8] : memref<2000x128xf32, #tpu.memory_space<vmem>>, vector<2000x128xf32>
    %get3A_10 = arith.constant 0 : index
    %get3A_11 = arith.constant 0 : index
    %get3A_12 = vector.load %arg4[%get3A_10, %get3A_11] : memref<2000x128xf32, #tpu.memory_space<vmem>>, vector<2000x128xf32>
    %add3A_13 = arith.addf %get3A_9, %get3A_12 : vector<2000x128xf32>
    %mul3A = vector.broadcast %select_n3A : vector<2000x1xf32> to vector<2000x128xf32>
    %mul3A_14 = arith.mulf %add3A_13, %mul3A : vector<2000x128xf32>
    %neg3A = arith.constant 0.000000e+00 : f32
    %neg3A_15 = vector.broadcast %neg3A : f32 to vector<2000x128xf32>
    %neg3A_16 = arith.subf %neg3A_15, %mul3A_14 : vector<2000x128xf32>
    %get3A_17 = arith.constant 0 : index
    %get3A_18 = arith.constant 0 : index
    %get3A_19 = vector.load %arg1[%get3A_17, %get3A_18] : memref<2000x128xf32, #tpu.memory_space<vmem>>, vector<2000x128xf32>
    %get3A_20 = arith.constant 0 : index
    %get3A_21 = arith.constant 0 : index
    %get3A_22 = arith.constant 0 : index
    %get3A_23 = vector.load %arg6[%get3A_20, %get3A_21, %get3A_22] : memref<3x128x128xf32, #tpu.memory_space<vmem>>, vector<1x128x128xf32>
    %get3A_24 = vector.shape_cast %get3A_23 : vector<1x128x128xf32> to vector<128x128xf32>
    %get3A_25 = arith.constant 2 : index
    %get3A_26 = arith.constant 0 : index
    %get3A_27 = arith.constant 0 : index
    %get3A_28 = vector.load %arg6[%get3A_25, %get3A_26, %get3A_27] : memref<3x128x128xf32, #tpu.memory_space<vmem>>, vector<1x128x128xf32>
    %get3A_29 = vector.shape_cast %get3A_28 : vector<1x128x128xf32> to vector<128x128xf32>
    %sub3A = arith.subf %get3A_24, %get3A_29 : vector<128x128xf32>
    %dot_general3A = arith.constant dense<0.000000e+00> : vector<2000x128xf32>
    %dot_general3A_30 = tpu.matmul %get3A_19, %sub3A, %dot_general3A {dimension_numbers = #tpu.dot_dimension_numbers<[1], [0], [0], [1], [0, 0, 1, 1], [], []>, precision = #tpu.contract_precision<fp32>, transpose_lhs_hint = false} : vector<2000x128xf32>, vector<128x128xf32>, vector<2000x128xf32> -> vector<2000x128xf32>
    %get3A_31 = arith.constant 0 : index
    %get3A_32 = arith.constant 0 : index
    %get3A_33 = vector.load %arg2[%get3A_31, %get3A_32] : memref<2000x128xf32, #tpu.memory_space<vmem>>, vector<2000x128xf32>
    %get3A_34 = arith.constant 1 : index
    %get3A_35 = arith.constant 0 : index
    %get3A_36 = arith.constant 0 : index
    %get3A_37 = vector.load %arg6[%get3A_34, %get3A_35, %get3A_36] : memref<3x128x128xf32, #tpu.memory_space<vmem>>, vector<1x128x128xf32>
    %get3A_38 = vector.shape_cast %get3A_37 : vector<1x128x128xf32> to vector<128x128xf32>
    %dot_general3A_39 = arith.constant dense<0.000000e+00> : vector<2000x128xf32>
    %dot_general3A_40 = tpu.matmul %get3A_33, %get3A_38, %dot_general3A_39 {dimension_numbers = #tpu.dot_dimension_numbers<[1], [0], [0], [1], [0, 0, 1, 1], [], []>, precision = #tpu.contract_precision<fp32>, transpose_lhs_hint = false} : vector<2000x128xf32>, vector<128x128xf32>, vector<2000x128xf32> -> vector<2000x128xf32>
    %add3A_41 = arith.addf %dot_general3A_30, %dot_general3A_40 : vector<2000x128xf32>
    %get3A_42 = arith.constant 2 : index
    %get3A_43 = arith.constant 0 : index
    %get3A_44 = arith.constant 0 : index
    %get3A_45 = vector.load %arg6[%get3A_42, %get3A_43, %get3A_44] : memref<3x128x128xf32, #tpu.memory_space<vmem>>, vector<1x128x128xf32>
    %get3A_46 = vector.shape_cast %get3A_45 : vector<1x128x128xf32> to vector<128x128xf32>
    %mul3A_47 = arith.constant 2.000000e+00 : f32
    %mul3A_48 = vector.broadcast %mul3A_47 : f32 to vector<128x128xf32>
    %mul3A_49 = arith.mulf %mul3A_48, %get3A_46 : vector<128x128xf32>
    %dot_general3A_50 = arith.constant dense<0.000000e+00> : vector<2000x128xf32>
    %dot_general3A_51 = tpu.matmul %neg3A_16, %mul3A_49, %dot_general3A_50 {dimension_numbers = #tpu.dot_dimension_numbers<[1], [0], [0], [1], [0, 0, 1, 1], [], []>, precision = #tpu.contract_precision<fp32>, transpose_lhs_hint = false} : vector<2000x128xf32>, vector<128x128xf32>, vector<2000x128xf32> -> vector<2000x128xf32>
    %add3A_52 = arith.addf %add3A_41, %dot_general3A_51 : vector<2000x128xf32>
    %get3A_53 = arith.constant 0 : index
    %get3A_54 = arith.constant 0 : index
    %get3A_55 = vector.load %arg7[%get3A_53, %get3A_54] : memref<1x128xf32, #tpu.memory_space<vmem>>, vector<1x128xf32>
    %add3A_56 = vector.broadcast %get3A_55 : vector<1x128xf32> to vector<2000x128xf32>
    %add3A_57 = arith.addf %add3A_52, %add3A_56 : vector<2000x128xf32>
    %swap3A = arith.constant 0 : index
    %swap3A_58 = arith.constant 0 : index
    %swap3A_59 = vector.load %arg8[%swap3A, %swap3A_58] : memref<2000x128xf32, #tpu.memory_space<vmem>>, vector<2000x128xf32>
    tpu.vector_store %arg8[%swap3A, %swap3A_58], %add3A_57 {strides = array<i32>} : memref<2000x128xf32, #tpu.memory_space<vmem>>, vector<2000x128xf32>,
    return
  }
  func.func @transform_0(%arg0: i32) -> (i32, i32) {
    %c0_i32 = arith.constant 0 : i32
    %c0_i32_0 = arith.constant 0 : i32
    return %arg0, %c0_i32 : i32, i32
  }
  func.func @transform_1(%arg0: i32) -> (i32, i32) {
    %c0_i32 = arith.constant 0 : i32
    %c0_i32_0 = arith.constant 0 : i32
    return %arg0, %c0_i32 : i32, i32
  }
  func.func @transform_2(%arg0: i32) -> (i32, i32) {
    %c0_i32 = arith.constant 0 : i32
    %c0_i32_0 = arith.constant 0 : i32
    return %arg0, %c0_i32 : i32, i32
  }
  func.func @transform_3(%arg0: i32) -> (i32, i32) {
    %c0_i32 = arith.constant 0 : i32
    %c0_i32_0 = arith.constant 0 : i32
    return %arg0, %c0_i32 : i32, i32
  }
  func.func @transform_4(%arg0: i32) -> (i32, i32) {
    %c0_i32 = arith.constant 0 : i32
    %c0_i32_0 = arith.constant 0 : i32
    return %arg0, %c0_i32 : i32, i32
  }
  func.func @transform_5(%arg0: i32) -> (i32, i32, i32) {
    %c0_i32 = arith.constant 0 : i32
    %c0_i32_0 = arith.constant 0 : i32
    %c0_i32_1 = arith.constant 0 : i32
    %c0_i32_2 = arith.constant 0 : i32
    return %c0_i32, %c0_i32_0, %c0_i32_1 : i32, i32, i32
  }
  func.func @transform_6(%arg0: i32) -> (i32, i32) {
    %c0_i32 = arith.constant 0 : i32
    %c0_i32_0 = arith.constant 0 : i32
    %c0_i32_1 = arith.constant 0 : i32
    return %c0_i32, %c0_i32_0 : i32, i32
  }
  func.func @transform_7(%arg0: i32) -> (i32, i32) {
    %c0_i32 = arith.constant 0 : i32
    %c0_i32_0 = arith.constant 0 : i32
    return %arg0, %c0_i32 : i32, i32
  }
}

</mosaic_0001>

<sc_bundles>
// kernel: kernel.11.cloned.1.call-start
scs
__scs_entry_jumppad:
0x0: {  	(pc) =	sbr.rel $0x88, $3  }
0x1: {  	(tag) =	ssettag $0x0;
	lr =	simm.s32 $0x1  }
0x2: {  	[smem:$0x3F9D] =	sst lr;
	_ =	strace $0xD0000000  }
0x3: {  	_ = 	snop  }
0x4: {  	_ = 	snop  }
0x5: {  	_ = 	snop  }
0x6: {  	_ = 	snop  }
0x7: {  	_ = 	snop  }
__scs_overlays_trampoline_lowered:
0x8: {  	[smem:$0x3FAC] =	sst s0  }
0x9: {  	[smem:$0x3FAD] =	sst s1  }
0xa: {  	[smem:$0x3FAE] =	sst s2  }
0xb: {  	[smem:$0x3FAF] =	sst s3  }
0xc: {  	[smem:$0x3FB0] =	sst s4  }
0xd: {  	[smem:$0x3FB1] =	sst s5  }
0xe: {  	[smem:$0x3FB2] =	sst s6  }
0xf: {  	[smem:$0x3FB3] =	sst s7  }
0x10: {  	[smem:$0x3FB4] =	sst s8  }
0x11: {  	[smem:$0x3FB5] =	sst s9;
	s0 =	simm.s32 @!p0 $0x0  }
0x12: {  	s1 =	sld [smem:$0x3F9B];
	s0 =	simm.s32 @p0 $0x1  }
0x13: {  	[smem:$0x3FB6] =	sst s0;
	s0 =	simm.s32 @!p1 $0x0  }
0x14: {  	s2 =	sld [smem:$0x3F9A];
	s0 =	simm.s32 @p1 $0x1  }
0x15: {  	[smem:$0x3FB7] =	sst s0;
	s0 =	simm.s32 @!p2 $0x0  }
0x16: {  	s3 =	sld [smem:$0x3FDB];
	s0 =	simm.s32 @p2 $0x1  }
0x17: {  	s4 =	simm.s32 $0x1BF5;
	[smem:$0x3FB9] =	sst s0  }
0x18: {  	s0 =	sld [smem:$0x3F9C];
	_ =	swait.ge [sflag:s4], $0x0  }
0x19: {  	s7 =	sld [smem:$0x3F9D]  }
0x1a: {  	s8 =	sadd.s32 $0xFFFFE003, lr  }
0x1b: {  	s9 =	sadd.s32 $0xFFFFFEF7, lr;
	s5 =	simm.s32 $0xFFFFFFFF;
	p2 =	slt.u32 s8, $0xFFFFF086  }
0x1c: {  	p1 =	slt.u32 s9, $0xF7A;
	s5 =	simm.s32 @!p2 $0x0  }
0x1d: {  	s5 =	simm.s32 @p1 $0x1;
	p0 =	seq.s32 s7, s2  }
0x1e: {  	s7 =	smul.u32 @!p0 $0xF7A, s2;
	p2 =	seq.s32 @!p0 s5, $0x0  }
0x1f: {  	s9 =	smul.u32 $0xF7A, s1;
	s8 =	simm.s32 @!p0 $0x1BF5;
	p2 =	por !p2, p0  }
0x20: {  	[sflag:s8] =	ssyncset.s32 @!p0 $0xFFFFF086;
	s6 =	sadd.s32 @!p0 s3, s7;
	s7 =	simm.s32 @!p0 $0x108  }
0x21: {  	s3 =	sadd.s32 s3, s9;
	s6 =	sadd.s32 @!p0 $0x88, s6;
	s7 =	simm.s32 @p2 $0x1082  }
0x22: {  	[simem:s7], [sflag:s8] =	dma.local @!p0 [hbm:s6], $0xF7A  }
0x23: {  	s9 =	sor.u32 $0xD0000000, s2;
	s6 =	simm.s32 $0x108;
	_ =	swait.ge @!p0 [sflag:s8], $0x0  }
0x24: {  	s3 =	sadd.s32 $0x88, s3;
	s6 =	simm.s32 @!p1 $0x1082;
	[sflag:s4] =	ssyncset.s32 $0xFFFFF086  }
0x25: {  	[simem:s6], [sflag:s4] =	dma.local [hbm:s3], $0xF7A  }
0x26: {  	[smem:$0x3F9D] =	sst s1;
	(tag) =	ssettag s2;
	_ =	strace s9  }
0x27: {  	s1 =	sld [smem:$0x3FAD]  }
0x28: {  	s2 =	sld [smem:$0x3FAE]  }
0x29: {  	s4 =	sld [smem:$0x3FB0]  }
0x2a: {  	p0 =	seq.s32 s5, $0x0;
	s5 =	sld [smem:$0x3FB1]  }
0x2b: {  	s6 =	sld [smem:$0x3FB2]  }
0x2c: {  	s7 =	sld [smem:$0x3FB3]  }
0x2d: {  	s3 =	simm.s32 $0x108;
	s8 =	sld [smem:$0x3FB4]  }
0x2e: {  	s3 =	simm.s32 @!p0 $0x1082;
	s9 =	sld [smem:$0x3FB5]  }
0x2f: {  	lr =	sadd.s32 s0, s3;
	s0 =	sld [smem:$0x3FAC]  }
0x30: {  	s3 =	sld [smem:$0x3FAF]  }
0x31: {  	[smem:$0x3FB8] =	sst s10  }
0x32: {  	s10 =	sld [smem:$0x3FB6];
	_ =	sdelay $0x3  }
0x33: {  	p0 =	seq.s32 s10, $0x1;
	s10 =	sld [smem:$0x3FB8];
	_ =	sdelay $0x3  }
0x34: {  	[smem:$0x3FB8] =	sst s10  }
0x35: {  	s10 =	sld [smem:$0x3FB7];
	_ =	sdelay $0x3  }
0x36: {  	p1 =	seq.s32 s10, $0x1;
	s10 =	sld [smem:$0x3FB8];
	_ =	sdelay $0x3  }
0x37: {  	[smem:$0x3FB8] =	sst s10  }
0x38: {  	s10 =	sld [smem:$0x3FB9]  }
0x39: {  	_ = 	snop;
	(pc) =	sbr.ind lr, $3  }
0x3a: {  	_ = 	snop  }
0x3b: {  	_ = 	snop  }
0x3c: {  	p2 =	seq.s32 s10, $0x1;
	s10 =	sld [smem:$0x3FB8]  }
0x3d: {  	_ =	shalt  }
0x3e: {  	_ =	shalt  }
0x3f: {  	_ =	shalt  }
0x40: {  	_ =	shalt  }
0x41: {  	_ =	shalt  }
0x42: {  	_ =	shalt  }
0x43: {  	_ =	shalt  }
0x44: {  	_ =	shalt  }
0x45: {  	_ =	shalt  }
0x46: {  	_ =	shalt  }
0x47: {  	_ =	shalt  }
0x48: {  	_ =	shalt  }
0x49: {  	_ =	shalt  }
0x4a: {  	_ =	shalt  }
0x4b: {  	_ =	shalt  }
0x4c: {  	_ =	shalt  }
0x4d: {  	_ =	shalt  }
0x4e: {  	_ =	shalt  }
0x4f: {  	_ =	shalt  }
0x50: {  	_ =	shalt  }
0x51: {  	_ =	shalt  }
0x52: {  	_ =	shalt  }
0x53: {  	_ =	shalt  }
0x54: {  	_ =	shalt  }
0x55: {  	_ =	shalt  }
0x56: {  	_ =	shalt  }
0x57: {  	_ =	shalt  }
0x58: {  	_ =	shalt  }
0x59: {  	_ =	shalt  }
0x5a: {  	_ =	shalt  }
0x5b: {  	_ =	shalt  }
0x5c: {  	_ =	shalt  }
0x5d: {  	_ =	shalt  }
0x5e: {  	_ =	shalt  }
0x5f: {  	_ =	shalt  }
0x60: {  	_ =	shalt  }
0x61: {  	_ =	shalt  }
0x62: {  	_ =	shalt  }
0x63: {  	_ =	shalt  }
0x64: {  	_ =	shalt  }
0x65: {  	_ =	shalt  }
0x66: {  	_ =	shalt  }
0x67: {  	_ =	shalt  }
0x68: {  	_ =	shalt  }
0x69: {  	_ =	shalt  }
0x6a: {  	_ =	shalt  }
0x6b: {  	_ =	shalt  }
0x6c: {  	_ =	shalt  }
0x6d: {  	_ =	shalt  }
0x6e: {  	_ =	shalt  }
0x6f: {  	_ =	shalt  }
0x70: {  	_ =	shalt  }
0x71: {  	_ =	shalt  }
0x72: {  	_ =	shalt  }
0x73: {  	_ =	shalt  }
0x74: {  	_ =	shalt  }
0x75: {  	_ =	shalt  }
0x76: {  	_ =	shalt  }
0x77: {  	_ =	shalt  }
0x78: {  	_ =	shalt  }
0x79: {  	_ =	shalt  }
0x7a: {  	_ =	shalt  }
0x7b: {  	_ =	shalt  }
0x7c: {  	_ =	shalt  }
0x7d: {  	_ =	shalt  }
0x7e: {  	_ =	shalt  }
0x7f: {  	_ =	shalt  }
0x80: {  	_ =	shalt  }
0x81: {  	_ =	shalt  }
0x82: {  	_ =	shalt  }
0x83: {  	_ =	shalt  }
0x84: {  	_ =	shalt  }
0x85: {  	_ =	shalt  }
0x86: {  	_ =	shalt  }
0x87: {  	_ =	shalt  }
.Lfunc_end0:
.L_simem_size_0:
called_computation.1_lowered:
.L_overlay_start_0:
0x88: {  	s2 =	sld [smem:$0x3FD9]  }
0x89: {  	s3 =	sld [smem:$0x3FFE];
	_ =	sdelay $0x1  }
0x8a: {  	s1 =	srdreg.scid  }
0x8b: {  	s0 =	sand.u32 $0x1, s1  }
0x8c: {  	s17 =	sshll.u32 s0, $0xA;
	s2 =	sadd.s32 s3, s2  }
0x8d: {  	s2 =	sadd.s32 s2, s17  }
0x8e: {  	[smem:$0x3FC4] =	sst s2  }
0x8f: {  	_ = 	snop  }
0x90: {  	s2 =	sld [smem:$0x3FD0];
	(tm) =	ssettm $0x1  }
0x91: {  	s18 =	sld [smem:$0x3FFB];
	_ =	sdelay $0x3  }
0x92: {  	_ =	strace s18  }
0x93: {  	s3 =	sld [smem:$0x3FFC];
	_ =	sdelay $0x3  }
0x94: {  	_ =	strace s3  }
0x95: {  	s3 =	sld [smem:$0x3FFD];
	_ =	sdelay $0x3  }
0x96: {  	_ =	strace s3  }
0x97: {  	_ =	strace $0x8FFFFFFF  }
0x98: {  	s19 =	sld [smem:$0x3FDB];
	_ =	sdelay $0x1  }
0x99: {  	s4 =	simm.s32 $_scs_section_size  }
0x9a: {  	s5 =	simm.s32 $_size__tile_overlayer_lowered;
	s6 =	simm.s32 $_tile_overlayer_lowered  }
0x9b: {  	s22 =	simm.s32 $0x1BFF;
	s21 =	sshll.u32 s6, $0x1;
	s3 =	sadd.s32 s4, s19  }
0x9c: {  	s7 =	simm.s32 $0x0;
	s20 =	sshll.u32 s5, $0x1;
	s5 =	sadd.s32 s21, s3  }
0x9d: {  	[timem:s7], [sflag:s22] =	dma.local [hbm:s5], s20  }
0x9e: {  	_ =	swait.ge [sflag:s22], s20  }
0x9f: {  	s4 =	ssub.s32 $0x0, s20;
	[sflag:s22] =	ssyncset.done $0x0  }
0xa0: {  	[sflag:s22] =	ssyncadd.s32 s4;
	_ =	sdelay $0x1  }
0xa1: {  	s23 =	simm.s32 $0x1B8B  }
0xa2: {  	_ =	swait.ge [sflag:s23], $0x1  }
0xa3: {  	[sflag:s23] =	ssyncset.done $0x0  }
0xa4: {  	s25 =	simm.s32 $0x1B8E;
	s24 =	sld [smem:$0x3FFE];
	[sflag:s23] =	ssyncadd.s32 $0xFFFFFFFF  }
0xa5: {  	s26 =	simm.s32 $execute0_lowered;
	[smem:$0x3FD2] =	sst s25  }
0xa6: {  	s5 =	sshll.u32 s26, $0x1;
	_ =	strace $0x80000049;
	[dreg:$0x1] =	wrdreg $0xFFFFFFFF  }
0xa7: {  	s28 =	simm.s32 $_size_execute0_lowered;
	s3 =	sadd.s32 s3, s5;
	[dreg:$0x0] =	wrdreg $0x0  }
0xa8: {  	s5 =	sshll.u32 s28, $0x1;
	[dreg:$0x2] =	wrdreg s3  }
0xa9: {  	[dreg:$0x3] =	wrdreg s5  }
0xaa: {  	[dreg:$0x4] =	wrdreg $0xC0  }
0xab: {  	_ =	task [dreg:s7], $0x5FFFF  }
0xac: {  	[dreg:$0x1] =	wrdreg $0xFFFFFFFF  }
0xad: {  	[dreg:$0x0] =	wrdreg $0x60  }
0xae: {  	[dreg:$0x2] =	wrdreg s2  }
0xaf: {  	[dreg:$0x3] =	wrdreg s24  }
0xb0: {  	[dreg:$0x4] =	wrdreg $0xA9000  }
0xb1: {  	[dreg:$0x5] =	wrdreg $0x9  }
0xb2: {  	_ =	task.clear_ibuf [dreg:s7], $0x6FFFF;
	_ =	strace $0x90000049  }
0xb3: {  	s29 =	simm.s32 $0x9;
	_ =	strace $0x8000004B  }
0xb4: {  	_ =	swait.ge [sflag:s29], $0x1  }
0xb5: {  	[sflag:s29] =	ssyncadd.s32 $0xFFFFFFFF  }
0xb6: {  	_ =	strace $0x9000004B  }
0xb7: {  	_ =	sfence  }
0xb8: {  	s30 =	sld [smem:$0x0];
	_ =	sdelay $0x2  }
0xb9: {  	s31 =	sshll.u32 s1, $0xD;
	s1 =	sshrl.u32 s1, $0x2  }
0xba: {  	s3 =	sand.u32 $0x4000, s31;
	s1 =	sadd.s32 s1, s30  }
0xbb: {  	s0 =	sor.u32 s3, s0;
	s1 =	sshll.u32 s1, $0x11  }
0xbc: {  	s0 =	sor.u32 s1, s0  }
0xbd: {  	s0 =	sadd.s32 $0x8F2B, s0  }
0xbe: {  	[sflag:s0] =	ssyncadd.remote.s32 $0x1  }
0xbf: {  	_ =	sfence.sel $0xFFFF  }
0xc0: {  	[dreg:$0x0] =	wrdreg $0xFFFFFFFF;
	(pc) =	sbr.abs _section_cstart, $3  }
0xc1: {  	[dreg:$0x1] =	wrdreg $0xFFFFFFFF  }
0xc2: {  	_ =	task.clear_ibuf [dreg:s7], $0x2FFFF;
	_ =	strace $0x9FFFFFFF  }
0xc3: {  	(tm) =	ssettm $0x7FFFFFFF  }
tec
execute0_lowered:
.L_overlay_start_1:
0x0: {  	(tag) =	ssettag $0x1  }
0x1: {  	s1 =	rddreg [dreg:$0x0]  }
0x2: {  	s2 =	srdreg.scid;
	s12 =	rddreg [dreg:$0x1]  }
0x3: {  	s0 =	stileid.u32;
	s3 =	rddreg [dreg:$0x2]  }
0x4: {  	s4 =	simm.s32 $0x0;
	s15 =	simm.s32 $0x41000;
	s18 =	simm.s32 $0x1  }
0x5: {  	s19 =	simm.s32 $0x80;
	s20 =	simm.s32 $0x2900;
	s21 =	simm.s32 $0x6900  }
0x6: {  	s22 =	simm.s32 $0x2;
	s23 =	simm.s32 $0x4;
	s24 =	simm.s32 $0x3  }
0x7: {  	s25 =	simm.s32 $0x5;
	s26 =	simm.s32 $0x0;
	s11 =	sand.u32 $0x1, s2  }
0x8: {  	s29 =	sshll.u32 s0, $0x1;
	[smem:$0x7FF] =	sst s4;
	s6 =	sadd.s32 $0x2800, s12  }
0x9: {  	s7 =	sadd.s32 $0x16800, s12;
	s14 =	smul.u32 $0x50000, s0;
	s30 =	sshll.u32 s0, $0x6  }
0xa: {  	s16 =	smul.u32 $0x2800, s0;
	s5 =	sor.u32 s11, s29;
	_ =	strace $0x8000004A  }
0xb: {  	s10 =	ssub.s32 $0x2, s11;
	p0 =	seq.s32 s11, $0x1;
	s11 =	sor.u32 $0x1C06, s30  }
0xc: {  	s5 =	smul.u32 $0x2800, s5;
	s13 =	sshrl.u32 s10, $0x1;
	s14 =	sshrl.u32 s14, $0x2  }
0xd: {  	s15 =	simm.s32 @!p0 $0x19000;
	s13 =	ssub.s32 s10, s13;
	s17 =	sadd.s32 s14, s3  }
0xe: {  	s31 =	sadd.s32 s15, s12;
	s14 =	simm.s32 $0x2800;
	s8 =	sshrl.u32 s5, $0x3  }
0xf: {  	s15 =	simm.s32 $0x2880;
	s9 =	sadd.s32 s8, s12;
	s8 =	sadd.s32 s6, s8  }
0x10: {  	s12 =	smax.u32 s13, $0x1;
	s13 =	sadd.s32 s31, s16;
	s16 =	sshrl.u32 s17, $0x3  }
0x11: {  	s17 =	simm.s32 $0x6;
	s9 =	sadd.s32 $0xC800, s9;
	s10 =	sadd.s32 $0x10, s8  }
.LBB2_1:
0x12: {  	[tilespmem:s4], [sflag:$0x1] =	stream.linear.gather [hbm4b:s9+s4], $0x2800, $0x38;
	[tilespmem:$0x1E900] =	vst v63  }
0x13: {  	_ = 	snop  }
0x14: {  	[tilespmem:s14], [sflag:$0x4] =	stream.linear.gather [hbm4b:s8+s4], $0x80, $0x38;
	[tilespmem:$0x1E900] =	vst v63  }
0x15: {  	_ = 	snop  }
0x16: {  	[tilespmem:s15], [sflag:$0x5] =	stream.linear.gather [hbm4b:s10+s4], $0x80, $0x38;
	[tilespmem:$0x1E900] =	vst v63  }
0x17: {  	[spmem:s16], [sflag:s11] =	dma.local [hbm:s7], $0x2800  }
0x18: {  	_ =	swait.ge [sflag:s17], $0x2800  }
0x19: {  	[sflag:s17] =	ssyncset.done $0x0  }
0x1a: {  	[sflag:s17] =	ssyncadd.s32 $0xFFFFD800  }
0x1b: {  	_ =	swait.ge [sflag:s18], $0x2800  }
0x1c: {  	[sflag:s18] =	ssyncset.done $0x0  }
0x1d: {  	[sflag:s18] =	ssyncadd.s32 $0xFFFFD800  }
0x1e: {  	[bflag:$0x0] =	sbarrier.arrive $0xFFFF  }
0x1f: {  	[tilespmem:s20], [sflag:$0x2] =	stream.indirect.gather [hbm4b:s1+s19], $0x80, s4, s19, $0xb8;
	[tilespmem:$0x1E900] =	vst v63  }
0x20: {  	_ = 	snop  }
0x21: {  	[tilespmem:s21], [sflag:$0x3] =	stream.indirect.gather [hbm4b:s1+s19], $0x80, s19, s19, $0xb8;
	[tilespmem:$0x1E900] =	vst v63  }
0x22: {  	_ =	swait.ge [sflag:s22], $0x4000  }
0x23: {  	[sflag:s22] =	ssyncset.done $0x0  }
0x24: {  	[sflag:s22] =	ssyncadd.s32 $0xFFFFC000  }
0x25: {  	_ =	swait.ge [sflag:s23], $0x80  }
0x26: {  	s28 =	simm.s32 $0x100;
	[sflag:s23] =	ssyncset.done $0x0  }
0x27: {  	s29 =	sand.u32 $0x7C00, s28;
	[sflag:s23] =	ssyncadd.s32 $0xFFFFFF80  }
0x28: {  	[spmem:s3] =	stream.indirect.scatter.add.f32 [tilespmem:s20], [sflag:$0x6], $0x80, s14, s19, $0xb8;
	[tilespmem:$0x1E900] =	vst v63  }
0x29: {  	s30 =	sand.u32 $0x300, s28;
	s29 =	sadd.s32 s5, s29;
	_ =	swait.ge [sflag:s17], $0x4000  }
0x2a: {  	s29 =	sor.u32 s30, s29;
	[sflag:s17] =	ssyncset.done $0x0  }
0x2b: {  	s28 =	simm.s32 $0x100;
	s29 =	sshrl.u32 s29, $0x3;
	[sflag:s17] =	ssyncadd.s32 $0xFFFFC000  }
0x2c: {  	[tilespmem:s20], [sflag:$0x2] =	stream.indirect.gather [hbm4b:s1+s19], $0x80, s28, s19, $0xb8;
	[tilespmem:$0x1E900] =	vst v63  }
0x2d: {  	s29 =	sadd.s32 s6, s29  }
0x2e: {  	[tilespmem:s14], [sflag:$0x4] =	stream.linear.gather [hbm4b:s29+s4], $0x80, $0x38;
	[tilespmem:$0x1E900] =	vst v63  }
0x2f: {  	_ =	swait.ge [sflag:s24], $0x4000  }
0x30: {  	[sflag:s24] =	ssyncset.done $0x0  }
0x31: {  	[sflag:s24] =	ssyncadd.s32 $0xFFFFC000  }
0x32: {  	_ =	swait.ge [sflag:s25], $0x80  }
0x33: {  	[sflag:s25] =	ssyncset.done $0x0  }
0x34: {  	[sflag:s25] =	ssyncadd.s32 $0xFFFFFF80  }
0x35: {  	[spmem:s3] =	stream.indirect.scatter.add.f32 [tilespmem:s21], [sflag:$0x6], $0x80, s15, s19, $0xb8;
	[tilespmem:$0x1E900] =	vst v63  }
0x36: {  	_ =	swait.ge [sflag:s17], $0x4000  }
0x37: {  	[sflag:s17] =	ssyncset.done $0x0  }
0x38: {  	s30 =	simm.s32 $0x180;
	s29 =	simm.s32 $0x180;
	[sflag:s17] =	ssyncadd.s32 $0xFFFFC000  }
0x39: {  	[tilespmem:s21], [sflag:$0x3] =	stream.indirect.gather [hbm4b:s1+s19], $0x80, s30, s19, $0xb8;
	[tilespmem:$0x1E900] =	vst v63  }
0x3a: {  	s30 =	sand.u32 $0x7C00, s29  }
0x3b: {  	s29 =	sand.u32 $0x380, s29;
	s30 =	sadd.s32 s5, s30  }
0x3c: {  	s30 =	sor.u32 s29, s30  }
0x3d: {  	s29 =	simm.s32 $0x280;
	s30 =	sshrl.u32 s30, $0x3  }
.LBB2_2:
0x3e: {  	p0 =	sne.s32 s29, $0x2780;
	s30 =	sadd.s32 s6, s30;
	s28 =	sadd.s32 $0x100, s28  }
0x3f: {  	[tilespmem:s15], [sflag:$0x5] =	stream.linear.gather [hbm4b:s30+s4], $0x80, $0x38;
	[tilespmem:$0x1E900] =	vst v63  }
0x40: {  	s30 =	smov.u32 s29;
	s29 =	sadd.s32 $0x100, s29;
	_ =	swait.ge [sflag:s22], $0x4000  }
0x41: {  	[sflag:s22] =	ssyncset.done $0x0  }
0x42: {  	[sflag:s22] =	ssyncadd.s32 $0xFFFFC000  }
0x43: {  	_ =	swait.ge [sflag:s23], $0x80  }
0x44: {  	[sflag:s23] =	ssyncset.done $0x0  }
0x45: {  	s31 =	sadd.s32 $0xFFFFFF80, s30;
	[sflag:s23] =	ssyncadd.s32 $0xFFFFFF80  }
0x46: {  	[spmem:s3] =	stream.indirect.scatter.add.f32 [tilespmem:s20], [sflag:$0x6], $0x80, s14, s19, $0xb8;
	[tilespmem:$0x1E900] =	vst v63  }
0x47: {  	s2 =	sand.u32 $0x7C00, s31;
	_ =	swait.ge [sflag:s17], $0x4000  }
0x48: {  	s31 =	sand.u32 $0x300, s31;
	s2 =	sadd.s32 s5, s2;
	[sflag:s17] =	ssyncset.done $0x0  }
0x49: {  	s2 =	sor.u32 s31, s2;
	[sflag:s17] =	ssyncadd.s32 $0xFFFFC000  }
0x4a: {  	[tilespmem:s20], [sflag:$0x2] =	stream.indirect.gather [hbm4b:s1+s19], $0x80, s28, s19, $0xb8;
	[tilespmem:$0x1E900] =	vst v63  }
0x4b: {  	s2 =	sshrl.u32 s2, $0x3  }
0x4c: {  	s2 =	sadd.s32 s6, s2  }
0x4d: {  	[tilespmem:s14], [sflag:$0x4] =	stream.linear.gather [hbm4b:s2+s4], $0x80, $0x38;
	[tilespmem:$0x1E900] =	vst v63  }
0x4e: {  	_ =	swait.ge [sflag:s24], $0x4000  }
0x4f: {  	[sflag:s24] =	ssyncset.done $0x0  }
0x50: {  	[sflag:s24] =	ssyncadd.s32 $0xFFFFC000  }
0x51: {  	_ =	swait.ge [sflag:s25], $0x80  }
0x52: {  	[sflag:s25] =	ssyncset.done $0x0  }
0x53: {  	s2 =	sand.u32 $0x7C00, s30;
	[sflag:s25] =	ssyncadd.s32 $0xFFFFFF80  }
0x54: {  	[spmem:s3] =	stream.indirect.scatter.add.f32 [tilespmem:s21], [sflag:$0x6], $0x80, s15, s19, $0xb8;
	[tilespmem:$0x1E900] =	vst v63  }
.Ltmp0:
0x55: {  	_ = 	snop;
	(pc) =	sbr.rel @p0 .LBB2_2-.Ltmp0, $4  }
0x56: {  	s30 =	sand.u32 $0x380, s30;
	s2 =	sadd.s32 s5, s2;
	_ =	swait.ge [sflag:s17], $0x4000  }
0x57: {  	s2 =	sor.u32 s30, s2;
	[sflag:s17] =	ssyncset.done $0x0  }
0x58: {  	s31 =	sadd.s32 $0x80, s28;
	s30 =	sshrl.u32 s2, $0x3;
	[sflag:s17] =	ssyncadd.s32 $0xFFFFC000  }
0x59: {  	[tilespmem:s21], [sflag:$0x3] =	stream.indirect.gather [hbm4b:s1+s19], $0x80, s31, s19, $0xb8;
	[tilespmem:$0x1E900] =	vst v63  }
0x5a: {  	s2 =	sadd.s32 s6, s30  }
0x5b: {  	[tilespmem:s15], [sflag:$0x5] =	stream.linear.gather [hbm4b:s2+s4], $0x80, $0x38;
	[tilespmem:$0x1E900] =	vst v63  }
0x5c: {  	_ =	swait.ge [sflag:s22], $0x4000  }
0x5d: {  	[sflag:s22] =	ssyncset.done $0x0  }
0x5e: {  	[sflag:s22] =	ssyncadd.s32 $0xFFFFC000  }
0x5f: {  	_ =	swait.ge [sflag:s23], $0x80  }
0x60: {  	[sflag:s23] =	ssyncset.done $0x0  }
0x61: {  	[sflag:s23] =	ssyncadd.s32 $0xFFFFFF80  }
0x62: {  	[spmem:s3] =	stream.indirect.scatter.add.f32 [tilespmem:s20], [sflag:$0x6], $0x80, s14, s19, $0xb8;
	[tilespmem:$0x1E900] =	vst v63  }
0x63: {  	_ =	swait.ge [sflag:s17], $0x4000  }
0x64: {  	[sflag:s17] =	ssyncset.done $0x0  }
0x65: {  	[sflag:s17] =	ssyncadd.s32 $0xFFFFC000  }
0x66: {  	_ =	swait.ge [sflag:s24], $0x4000  }
0x67: {  	[sflag:s24] =	ssyncset.done $0x0  }
0x68: {  	[sflag:s24] =	ssyncadd.s32 $0xFFFFC000  }
0x69: {  	_ =	swait.ge [sflag:s25], $0x80  }
0x6a: {  	[sflag:s25] =	ssyncset.done $0x0  }
0x6b: {  	[sflag:s25] =	ssyncadd.s32 $0xFFFFFF80  }
0x6c: {  	[spmem:s3] =	stream.indirect.scatter.add.f32 [tilespmem:s21], [sflag:$0x6], $0x80, s15, s19, $0xb8;
	[tilespmem:$0x1E900] =	vst v63  }
0x6d: {  	_ =	swait.ge [sflag:s17], $0x4000  }
0x6e: {  	s26 =	sadd.s32 $0x1, s26;
	[sflag:s17] =	ssyncset.done $0x0  }
0x6f: {  	p0 =	sne.s32 s26, s12;
	[sflag:s17] =	ssyncadd.s32 $0xFFFFC000  }
.Ltmp1:
0x70: {  	[bflag:$0x0] =	sbarrier.arrive $0xFFFF;
	(pc) =	sbr.rel @p0 .LBB2_1-.Ltmp1, $4  }
0x71: {  	[hbm:s13], [sflag:s11] =	dma.local [spmem:s16], $0x2800  }
0x72: {  	_ =	swait.ge [sflag:s17], $0x2800  }
0x73: {  	[sflag:s17] =	ssyncset.done $0x0  }
0x74: {  	[sflag:s17] =	ssyncadd.s32 $0xFFFFD800  }
0x75: {  	_ =	sfence.sel $0x180000  }
0x76: {  	[bflag:$0x0] =	sbarrier.arrive $0xFFFF  }
0x77: {  	_ =	strace $0x9000004A  }
0x78: {  	[bflag:$0x2] =	sbarrier.arrive $0xFFFF  }
0x79: {  	p0 =	sne.s32 s0, $0x0;
	s0 =	rddreg [dreg:$0x3]  }
0x7a: {  	s0 =	sadd.s32 @!p0 $0x100000, s0  }
0x7b: {  	[sflag:s0] =	ssyncadd.tile.s32 @!p0 $0x1;
	_ =	shalt  }
.Lfunc_end2:
_tile_overlayer_lowered:
.L_overlay_start_2:
0x7c: {  	(tag) =	ssettag $0x2  }
0x7d: {  	s0 =	rddreg [dreg:$0x0];
	s2 =	stileid.u32  }
0x7e: {  	s1 =	rddreg [dreg:$0x1];
	p0 =	sne.s32 s2, $0x0  }
0x7f: {  	s3 =	rddreg [dreg:$0x2];
	[bflag:$0x3] =	sbarrier.arrive $0xFFFF;
	s2 =	simm.s32 @!p0 $0x1C06  }
0x80: {  	[timem:s3], [sflag:s2] =	dma.local @!p0 [hbm:s0], s1  }
0x81: {  	s0 =	simm.s32 @!p0 $0x6  }
0x82: {  	_ =	swait.ge @!p0 [sflag:s0], s1  }
0x83: {  	s1 =	ssub.s32 @!p0 $0x0, s1;
	[sflag:s0] =	ssyncset.done @!p0 $0x0  }
0x84: {  	[sflag:s0] =	ssyncadd.s32 @!p0 s1  }
0x85: {  	[bflag:$0x3] =	sbarrier.arrive $0xFFFF  }
0x86: {  	_ =	shalt  }

// kernel: kernel.14.cloned.1.call-start
scs
__scs_entry_jumppad:
0x0: {  	(pc) =	sbr.rel $0x88, $3  }
0x1: {  	(tag) =	ssettag $0x0;
	lr =	simm.s32 $0x1  }
0x2: {  	[smem:$0x3F9D] =	sst lr;
	_ =	strace $0xD0000000  }
0x3: {  	_ = 	snop  }
0x4: {  	_ = 	snop  }
0x5: {  	_ = 	snop  }
0x6: {  	_ = 	snop  }
0x7: {  	_ = 	snop  }
__scs_overlays_trampoline_lowered:
0x8: {  	[smem:$0x3FAC] =	sst s0  }
0x9: {  	[smem:$0x3FAD] =	sst s1  }
0xa: {  	[smem:$0x3FAE] =	sst s2  }
0xb: {  	[smem:$0x3FAF] =	sst s3  }
0xc: {  	[smem:$0x3FB0] =	sst s4  }
0xd: {  	[smem:$0x3FB1] =	sst s5  }
0xe: {  	[smem:$0x3FB2] =	sst s6  }
0xf: {  	[smem:$0x3FB3] =	sst s7  }
0x10: {  	[smem:$0x3FB4] =	sst s8  }
0x11: {  	[smem:$0x3FB5] =	sst s9;
	s0 =	simm.s32 @!p0 $0x0  }
0x12: {  	s1 =	sld [smem:$0x3F9B];
	s0 =	simm.s32 @p0 $0x1  }
0x13: {  	[smem:$0x3FB6] =	sst s0;
	s0 =	simm.s32 @!p1 $0x0  }
0x14: {  	s2 =	sld [smem:$0x3F9A];
	s0 =	simm.s32 @p1 $0x1  }
0x15: {  	[smem:$0x3FB7] =	sst s0;
	s0 =	simm.s32 @!p2 $0x0  }
0x16: {  	s3 =	sld [smem:$0x3FDB];
	s0 =	simm.s32 @p2 $0x1  }
0x17: {  	s4 =	simm.s32 $0x1BF5;
	[smem:$0x3FB9] =	sst s0  }
0x18: {  	s0 =	sld [smem:$0x3F9C];
	_ =	swait.ge [sflag:s4], $0x0  }
0x19: {  	s7 =	sld [smem:$0x3F9D]  }
0x1a: {  	s8 =	sadd.s32 $0xFFFFE003, lr  }
0x1b: {  	s9 =	sadd.s32 $0xFFFFFEF7, lr;
	s5 =	simm.s32 $0xFFFFFFFF;
	p2 =	slt.u32 s8, $0xFFFFF086  }
0x1c: {  	p1 =	slt.u32 s9, $0xF7A;
	s5 =	simm.s32 @!p2 $0x0  }
0x1d: {  	s5 =	simm.s32 @p1 $0x1;
	p0 =	seq.s32 s7, s2  }
0x1e: {  	s7 =	smul.u32 @!p0 $0xF7A, s2;
	p2 =	seq.s32 @!p0 s5, $0x0  }
0x1f: {  	s9 =	smul.u32 $0xF7A, s1;
	s8 =	simm.s32 @!p0 $0x1BF5;
	p2 =	por !p2, p0  }
0x20: {  	[sflag:s8] =	ssyncset.s32 @!p0 $0xFFFFF086;
	s6 =	sadd.s32 @!p0 s3, s7;
	s7 =	simm.s32 @!p0 $0x108  }
0x21: {  	s3 =	sadd.s32 s3, s9;
	s6 =	sadd.s32 @!p0 $0x88, s6;
	s7 =	simm.s32 @p2 $0x1082  }
0x22: {  	[simem:s7], [sflag:s8] =	dma.local @!p0 [hbm:s6], $0xF7A  }
0x23: {  	s9 =	sor.u32 $0xD0000000, s2;
	s6 =	simm.s32 $0x108;
	_ =	swait.ge @!p0 [sflag:s8], $0x0  }
0x24: {  	s3 =	sadd.s32 $0x88, s3;
	s6 =	simm.s32 @!p1 $0x1082;
	[sflag:s4] =	ssyncset.s32 $0xFFFFF086  }
0x25: {  	[simem:s6], [sflag:s4] =	dma.local [hbm:s3], $0xF7A  }
0x26: {  	[smem:$0x3F9D] =	sst s1;
	(tag) =	ssettag s2;
	_ =	strace s9  }
0x27: {  	s1 =	sld [smem:$0x3FAD]  }
0x28: {  	s2 =	sld [smem:$0x3FAE]  }
0x29: {  	s4 =	sld [smem:$0x3FB0]  }
0x2a: {  	p0 =	seq.s32 s5, $0x0;
	s5 =	sld [smem:$0x3FB1]  }
0x2b: {  	s6 =	sld [smem:$0x3FB2]  }
0x2c: {  	s7 =	sld [smem:$0x3FB3]  }
0x2d: {  	s3 =	simm.s32 $0x108;
	s8 =	sld [smem:$0x3FB4]  }
0x2e: {  	s3 =	simm.s32 @!p0 $0x1082;
	s9 =	sld [smem:$0x3FB5]  }
0x2f: {  	lr =	sadd.s32 s0, s3;
	s0 =	sld [smem:$0x3FAC]  }
0x30: {  	s3 =	sld [smem:$0x3FAF]  }
0x31: {  	[smem:$0x3FB8] =	sst s10  }
0x32: {  	s10 =	sld [smem:$0x3FB6];
	_ =	sdelay $0x3  }
0x33: {  	p0 =	seq.s32 s10, $0x1;
	s10 =	sld [smem:$0x3FB8];
	_ =	sdelay $0x3  }
0x34: {  	[smem:$0x3FB8] =	sst s10  }
0x35: {  	s10 =	sld [smem:$0x3FB7];
	_ =	sdelay $0x3  }
0x36: {  	p1 =	seq.s32 s10, $0x1;
	s10 =	sld [smem:$0x3FB8];
	_ =	sdelay $0x3  }
0x37: {  	[smem:$0x3FB8] =	sst s10  }
0x38: {  	s10 =	sld [smem:$0x3FB9]  }
0x39: {  	_ = 	snop;
	(pc) =	sbr.ind lr, $3  }
0x3a: {  	_ = 	snop  }
0x3b: {  	_ = 	snop  }
0x3c: {  	p2 =	seq.s32 s10, $0x1;
	s10 =	sld [smem:$0x3FB8]  }
0x3d: {  	_ =	shalt  }
0x3e: {  	_ =	shalt  }
0x3f: {  	_ =	shalt  }
0x40: {  	_ =	shalt  }
0x41: {  	_ =	shalt  }
0x42: {  	_ =	shalt  }
0x43: {  	_ =	shalt  }
0x44: {  	_ =	shalt  }
0x45: {  	_ =	shalt  }
0x46: {  	_ =	shalt  }
0x47: {  	_ =	shalt  }
0x48: {  	_ =	shalt  }
0x49: {  	_ =	shalt  }
0x4a: {  	_ =	shalt  }
0x4b: {  	_ =	shalt  }
0x4c: {  	_ =	shalt  }
0x4d: {  	_ =	shalt  }
0x4e: {  	_ =	shalt  }
0x4f: {  	_ =	shalt  }
0x50: {  	_ =	shalt  }
0x51: {  	_ =	shalt  }
0x52: {  	_ =	shalt  }
0x53: {  	_ =	shalt  }
0x54: {  	_ =	shalt  }
0x55: {  	_ =	shalt  }
0x56: {  	_ =	shalt  }
0x57: {  	_ =	shalt  }
0x58: {  	_ =	shalt  }
0x59: {  	_ =	shalt  }
0x5a: {  	_ =	shalt  }
0x5b: {  	_ =	shalt  }
0x5c: {  	_ =	shalt  }
0x5d: {  	_ =	shalt  }
0x5e: {  	_ =	shalt  }
0x5f: {  	_ =	shalt  }
0x60: {  	_ =	shalt  }
0x61: {  	_ =	shalt  }
0x62: {  	_ =	shalt  }
0x63: {  	_ =	shalt  }
0x64: {  	_ =	shalt  }
0x65: {  	_ =	shalt  }
0x66: {  	_ =	shalt  }
0x67: {  	_ =	shalt  }
0x68: {  	_ =	shalt  }
0x69: {  	_ =	shalt  }
0x6a: {  	_ =	shalt  }
0x6b: {  	_ =	shalt  }
0x6c: {  	_ =	shalt  }
0x6d: {  	_ =	shalt  }
0x6e: {  	_ =	shalt  }
0x6f: {  	_ =	shalt  }
0x70: {  	_ =	shalt  }
0x71: {  	_ =	shalt  }
0x72: {  	_ =	shalt  }
0x73: {  	_ =	shalt  }
0x74: {  	_ =	shalt  }
0x75: {  	_ =	shalt  }
0x76: {  	_ =	shalt  }
0x77: {  	_ =	shalt  }
0x78: {  	_ =	shalt  }
0x79: {  	_ =	shalt  }
0x7a: {  	_ =	shalt  }
0x7b: {  	_ =	shalt  }
0x7c: {  	_ =	shalt  }
0x7d: {  	_ =	shalt  }
0x7e: {  	_ =	shalt  }
0x7f: {  	_ =	shalt  }
0x80: {  	_ =	shalt  }
0x81: {  	_ =	shalt  }
0x82: {  	_ =	shalt  }
0x83: {  	_ =	shalt  }
0x84: {  	_ =	shalt  }
0x85: {  	_ =	shalt  }
0x86: {  	_ =	shalt  }
0x87: {  	_ =	shalt  }
.Lfunc_end0:
.L_simem_size_0:
called_computation.2_lowered:
.L_overlay_start_0:
0x88: {  	s2 =	sld [smem:$0x3FD9]  }
0x89: {  	s3 =	sld [smem:$0x3FFE];
	_ =	sdelay $0x1  }
0x8a: {  	s1 =	srdreg.scid  }
0x8b: {  	s0 =	sand.u32 $0x1, s1  }
0x8c: {  	s17 =	sshll.u32 s0, $0xA;
	s2 =	sadd.s32 s3, s2  }
0x8d: {  	s2 =	sadd.s32 s2, s17  }
0x8e: {  	[smem:$0x3FC4] =	sst s2  }
0x8f: {  	_ = 	snop  }
0x90: {  	s2 =	sld [smem:$0x3FD0];
	(tm) =	ssettm $0x1  }
0x91: {  	s18 =	sld [smem:$0x3FFB];
	_ =	sdelay $0x3  }
0x92: {  	_ =	strace s18  }
0x93: {  	s3 =	sld [smem:$0x3FFC];
	_ =	sdelay $0x3  }
0x94: {  	_ =	strace s3  }
0x95: {  	s3 =	sld [smem:$0x3FFD];
	_ =	sdelay $0x3  }
0x96: {  	_ =	strace s3  }
0x97: {  	_ =	strace $0x8FFFFFFF  }
0x98: {  	s19 =	sld [smem:$0x3FDB];
	_ =	sdelay $0x1  }
0x99: {  	s4 =	simm.s32 $_scs_section_size  }
0x9a: {  	s5 =	simm.s32 $_size__tile_overlayer_lowered;
	s6 =	simm.s32 $_tile_overlayer_lowered  }
0x9b: {  	s22 =	simm.s32 $0x1BFF;
	s21 =	sshll.u32 s6, $0x1;
	s3 =	sadd.s32 s4, s19  }
0x9c: {  	s7 =	simm.s32 $0x0;
	s20 =	sshll.u32 s5, $0x1;
	s5 =	sadd.s32 s21, s3  }
0x9d: {  	[timem:s7], [sflag:s22] =	dma.local [hbm:s5], s20  }
0x9e: {  	_ =	swait.ge [sflag:s22], s20  }
0x9f: {  	s4 =	ssub.s32 $0x0, s20;
	[sflag:s22] =	ssyncset.done $0x0  }
0xa0: {  	[sflag:s22] =	ssyncadd.s32 s4;
	_ =	sdelay $0x1  }
0xa1: {  	s23 =	simm.s32 $0x1B8B  }
0xa2: {  	_ =	swait.ge [sflag:s23], $0x1  }
0xa3: {  	[sflag:s23] =	ssyncset.done $0x0  }
0xa4: {  	s25 =	simm.s32 $0x1B8E;
	s24 =	sld [smem:$0x3FFE];
	[sflag:s23] =	ssyncadd.s32 $0xFFFFFFFF  }
0xa5: {  	s26 =	simm.s32 $execute0_lowered;
	[smem:$0x3FD2] =	sst s25  }
0xa6: {  	s5 =	sshll.u32 s26, $0x1;
	_ =	strace $0x8000004C;
	[dreg:$0x1] =	wrdreg $0xFFFFFFFF  }
0xa7: {  	s28 =	simm.s32 $_size_execute0_lowered;
	s3 =	sadd.s32 s3, s5;
	[dreg:$0x0] =	wrdreg $0x0  }
0xa8: {  	s5 =	sshll.u32 s28, $0x1;
	[dreg:$0x2] =	wrdreg s3  }
0xa9: {  	[dreg:$0x3] =	wrdreg s5  }
0xaa: {  	[dreg:$0x4] =	wrdreg $0xC0  }
0xab: {  	_ =	task [dreg:s7], $0x5FFFF  }
0xac: {  	[dreg:$0x1] =	wrdreg $0xFFFFFFFF  }
0xad: {  	[dreg:$0x0] =	wrdreg $0x60  }
0xae: {  	[dreg:$0x2] =	wrdreg s2  }
0xaf: {  	[dreg:$0x3] =	wrdreg s24  }
0xb0: {  	[dreg:$0x4] =	wrdreg $0xA9000  }
0xb1: {  	[dreg:$0x5] =	wrdreg $0x9  }
0xb2: {  	_ =	task.clear_ibuf [dreg:s7], $0x6FFFF;
	_ =	strace $0x9000004C  }
0xb3: {  	s29 =	simm.s32 $0x9;
	_ =	strace $0x8000004E  }
0xb4: {  	_ =	swait.ge [sflag:s29], $0x1  }
0xb5: {  	[sflag:s29] =	ssyncadd.s32 $0xFFFFFFFF  }
0xb6: {  	_ =	strace $0x9000004E  }
0xb7: {  	_ =	sfence  }
0xb8: {  	s30 =	sld [smem:$0x0];
	_ =	sdelay $0x2  }
0xb9: {  	s31 =	sshll.u32 s1, $0xD;
	s1 =	sshrl.u32 s1, $0x2  }
0xba: {  	s3 =	sand.u32 $0x4000, s31;
	s1 =	sadd.s32 s1, s30  }
0xbb: {  	s0 =	sor.u32 s3, s0;
	s1 =	sshll.u32 s1, $0x11  }
0xbc: {  	s0 =	sor.u32 s1, s0  }
0xbd: {  	s0 =	sadd.s32 $0x8F2B, s0  }
0xbe: {  	[sflag:s0] =	ssyncadd.remote.s32 $0x1  }
0xbf: {  	_ =	sfence.sel $0xFFFF  }
0xc0: {  	[dreg:$0x0] =	wrdreg $0xFFFFFFFF;
	(pc) =	sbr.abs _section_cstart, $3  }
0xc1: {  	[dreg:$0x1] =	wrdreg $0xFFFFFFFF  }
0xc2: {  	_ =	task.clear_ibuf [dreg:s7], $0x2FFFF;
	_ =	strace $0x9FFFFFFF  }
0xc3: {  	(tm) =	ssettm $0x7FFFFFFF  }
tec
execute0_lowered:
.L_overlay_start_1:
0x0: {  	(tag) =	ssettag $0x1  }
0x1: {  	s1 =	rddreg [dreg:$0x0]  }
0x2: {  	s2 =	srdreg.scid;
	s12 =	rddreg [dreg:$0x1]  }
0x3: {  	s0 =	stileid.u32;
	s3 =	rddreg [dreg:$0x2]  }
0x4: {  	s4 =	simm.s32 $0x0;
	s15 =	simm.s32 $0x41000;
	s18 =	simm.s32 $0x1  }
0x5: {  	s19 =	simm.s32 $0x80;
	s20 =	simm.s32 $0x2900;
	s21 =	simm.s32 $0x6900  }
0x6: {  	s22 =	simm.s32 $0x2;
	s23 =	simm.s32 $0x4;
	s24 =	simm.s32 $0x3  }
0x7: {  	s25 =	simm.s32 $0x5;
	s26 =	simm.s32 $0x0;
	s11 =	sand.u32 $0x1, s2  }
0x8: {  	s29 =	sshll.u32 s0, $0x1;
	[smem:$0x7FF] =	sst s4;
	s6 =	sadd.s32 $0x2800, s12  }
0x9: {  	s7 =	sadd.s32 $0x16800, s12;
	s14 =	smul.u32 $0x50000, s0;
	s30 =	sshll.u32 s0, $0x6  }
0xa: {  	s16 =	smul.u32 $0x2800, s0;
	s5 =	sor.u32 s11, s29;
	_ =	strace $0x8000004D  }
0xb: {  	s10 =	ssub.s32 $0x2, s11;
	p0 =	seq.s32 s11, $0x1;
	s11 =	sor.u32 $0x1C06, s30  }
0xc: {  	s5 =	smul.u32 $0x2800, s5;
	s13 =	sshrl.u32 s10, $0x1;
	s14 =	sshrl.u32 s14, $0x2  }
0xd: {  	s15 =	simm.s32 @!p0 $0x19000;
	s13 =	ssub.s32 s10, s13;
	s17 =	sadd.s32 s14, s3  }
0xe: {  	s31 =	sadd.s32 s15, s12;
	s14 =	simm.s32 $0x2800;
	s8 =	sshrl.u32 s5, $0x3  }
0xf: {  	s15 =	simm.s32 $0x2880;
	s9 =	sadd.s32 s8, s12;
	s8 =	sadd.s32 s6, s8  }
0x10: {  	s12 =	smax.u32 s13, $0x1;
	s13 =	sadd.s32 s31, s16;
	s16 =	sshrl.u32 s17, $0x3  }
0x11: {  	s17 =	simm.s32 $0x6;
	s9 =	sadd.s32 $0xC800, s9;
	s10 =	sadd.s32 $0x10, s8  }
.LBB2_1:
0x12: {  	[tilespmem:s4], [sflag:$0x1] =	stream.linear.gather [hbm4b:s9+s4], $0x2800, $0x38;
	[tilespmem:$0x1E900] =	vst v63  }
0x13: {  	_ = 	snop  }
0x14: {  	[tilespmem:s14], [sflag:$0x4] =	stream.linear.gather [hbm4b:s8+s4], $0x80, $0x38;
	[tilespmem:$0x1E900] =	vst v63  }
0x15: {  	_ = 	snop  }
0x16: {  	[tilespmem:s15], [sflag:$0x5] =	stream.linear.gather [hbm4b:s10+s4], $0x80, $0x38;
	[tilespmem:$0x1E900] =	vst v63  }
0x17: {  	[spmem:s16], [sflag:s11] =	dma.local [hbm:s7], $0x2800  }
0x18: {  	_ =	swait.ge [sflag:s17], $0x2800  }
0x19: {  	[sflag:s17] =	ssyncset.done $0x0  }
0x1a: {  	[sflag:s17] =	ssyncadd.s32 $0xFFFFD800  }
0x1b: {  	_ =	swait.ge [sflag:s18], $0x2800  }
0x1c: {  	[sflag:s18] =	ssyncset.done $0x0  }
0x1d: {  	[sflag:s18] =	ssyncadd.s32 $0xFFFFD800  }
0x1e: {  	[bflag:$0x0] =	sbarrier.arrive $0xFFFF  }
0x1f: {  	[tilespmem:s20], [sflag:$0x2] =	stream.indirect.gather [hbm4b:s1+s19], $0x80, s4, s19, $0xb8;
	[tilespmem:$0x1E900] =	vst v63  }
0x20: {  	_ = 	snop  }
0x21: {  	[tilespmem:s21], [sflag:$0x3] =	stream.indirect.gather [hbm4b:s1+s19], $0x80, s19, s19, $0xb8;
	[tilespmem:$0x1E900] =	vst v63  }
0x22: {  	_ =	swait.ge [sflag:s22], $0x4000  }
0x23: {  	[sflag:s22] =	ssyncset.done $0x0  }
0x24: {  	[sflag:s22] =	ssyncadd.s32 $0xFFFFC000  }
0x25: {  	_ =	swait.ge [sflag:s23], $0x80  }
0x26: {  	s28 =	simm.s32 $0x100;
	[sflag:s23] =	ssyncset.done $0x0  }
0x27: {  	s29 =	sand.u32 $0x7C00, s28;
	[sflag:s23] =	ssyncadd.s32 $0xFFFFFF80  }
0x28: {  	[spmem:s3] =	stream.indirect.scatter.add.f32 [tilespmem:s20], [sflag:$0x6], $0x80, s14, s19, $0xb8;
	[tilespmem:$0x1E900] =	vst v63  }
0x29: {  	s30 =	sand.u32 $0x300, s28;
	s29 =	sadd.s32 s5, s29;
	_ =	swait.ge [sflag:s17], $0x4000  }
0x2a: {  	s29 =	sor.u32 s30, s29;
	[sflag:s17] =	ssyncset.done $0x0  }
0x2b: {  	s28 =	simm.s32 $0x100;
	s29 =	sshrl.u32 s29, $0x3;
	[sflag:s17] =	ssyncadd.s32 $0xFFFFC000  }
0x2c: {  	[tilespmem:s20], [sflag:$0x2] =	stream.indirect.gather [hbm4b:s1+s19], $0x80, s28, s19, $0xb8;
	[tilespmem:$0x1E900] =	vst v63  }
0x2d: {  	s29 =	sadd.s32 s6, s29  }
0x2e: {  	[tilespmem:s14], [sflag:$0x4] =	stream.linear.gather [hbm4b:s29+s4], $0x80, $0x38;
	[tilespmem:$0x1E900] =	vst v63  }
0x2f: {  	_ =	swait.ge [sflag:s24], $0x4000  }
0x30: {  	[sflag:s24] =	ssyncset.done $0x0  }
0x31: {  	[sflag:s24] =	ssyncadd.s32 $0xFFFFC000  }
0x32: {  	_ =	swait.ge [sflag:s25], $0x80  }
0x33: {  	[sflag:s25] =	ssyncset.done $0x0  }
0x34: {  	[sflag:s25] =	ssyncadd.s32 $0xFFFFFF80  }
0x35: {  	[spmem:s3] =	stream.indirect.scatter.add.f32 [tilespmem:s21], [sflag:$0x6], $0x80, s15, s19, $0xb8;
	[tilespmem:$0x1E900] =	vst v63  }
0x36: {  	_ =	swait.ge [sflag:s17], $0x4000  }
0x37: {  	[sflag:s17] =	ssyncset.done $0x0  }
0x38: {  	s30 =	simm.s32 $0x180;
	s29 =	simm.s32 $0x180;
	[sflag:s17] =	ssyncadd.s32 $0xFFFFC000  }
0x39: {  	[tilespmem:s21], [sflag:$0x3] =	stream.indirect.gather [hbm4b:s1+s19], $0x80, s30, s19, $0xb8;
	[tilespmem:$0x1E900] =	vst v63  }
0x3a: {  	s30 =	sand.u32 $0x7C00, s29  }
0x3b: {  	s29 =	sand.u32 $0x380, s29;
	s30 =	sadd.s32 s5, s30  }
0x3c: {  	s30 =	sor.u32 s29, s30  }
0x3d: {  	s29 =	simm.s32 $0x280;
	s30 =	sshrl.u32 s30, $0x3  }
.LBB2_2:
0x3e: {  	p0 =	sne.s32 s29, $0x2780;
	s30 =	sadd.s32 s6, s30;
	s28 =	sadd.s32 $0x100, s28  }
0x3f: {  	[tilespmem:s15], [sflag:$0x5] =	stream.linear.gather [hbm4b:s30+s4], $0x80, $0x38;
	[tilespmem:$0x1E900] =	vst v63  }
0x40: {  	s30 =	smov.u32 s29;
	s29 =	sadd.s32 $0x100, s29;
	_ =	swait.ge [sflag:s22], $0x4000  }
0x41: {  	[sflag:s22] =	ssyncset.done $0x0  }
0x42: {  	[sflag:s22] =	ssyncadd.s32 $0xFFFFC000  }
0x43: {  	_ =	swait.ge [sflag:s23], $0x80  }
0x44: {  	[sflag:s23] =	ssyncset.done $0x0  }
0x45: {  	s31 =	sadd.s32 $0xFFFFFF80, s30;
	[sflag:s23] =	ssyncadd.s32 $0xFFFFFF80  }
0x46: {  	[spmem:s3] =	stream.indirect.scatter.add.f32 [tilespmem:s20], [sflag:$0x6], $0x80, s14, s19, $0xb8;
	[tilespmem:$0x1E900] =	vst v63  }
0x47: {  	s2 =	sand.u32 $0x7C00, s31;
	_ =	swait.ge [sflag:s17], $0x4000  }
0x48: {  	s31 =	sand.u32 $0x300, s31;
	s2 =	sadd.s32 s5, s2;
	[sflag:s17] =	ssyncset.done $0x0  }
0x49: {  	s2 =	sor.u32 s31, s2;
	[sflag:s17] =	ssyncadd.s32 $0xFFFFC000  }
0x4a: {  	[tilespmem:s20], [sflag:$0x2] =	stream.indirect.gather [hbm4b:s1+s19], $0x80, s28, s19, $0xb8;
	[tilespmem:$0x1E900] =	vst v63  }
0x4b: {  	s2 =	sshrl.u32 s2, $0x3  }
0x4c: {  	s2 =	sadd.s32 s6, s2  }
0x4d: {  	[tilespmem:s14], [sflag:$0x4] =	stream.linear.gather [hbm4b:s2+s4], $0x80, $0x38;
	[tilespmem:$0x1E900] =	vst v63  }
0x4e: {  	_ =	swait.ge [sflag:s24], $0x4000  }
0x4f: {  	[sflag:s24] =	ssyncset.done $0x0  }
0x50: {  	[sflag:s24] =	ssyncadd.s32 $0xFFFFC000  }
0x51: {  	_ =	swait.ge [sflag:s25], $0x80  }
0x52: {  	[sflag:s25] =	ssyncset.done $0x0  }
0x53: {  	s2 =	sand.u32 $0x7C00, s30;
	[sflag:s25] =	ssyncadd.s32 $0xFFFFFF80  }
0x54: {  	[spmem:s3] =	stream.indirect.scatter.add.f32 [tilespmem:s21], [sflag:$0x6], $0x80, s15, s19, $0xb8;
	[tilespmem:$0x1E900] =	vst v63  }
.Ltmp0:
0x55: {  	_ = 	snop;
	(pc) =	sbr.rel @p0 .LBB2_2-.Ltmp0, $4  }
0x56: {  	s30 =	sand.u32 $0x380, s30;
	s2 =	sadd.s32 s5, s2;
	_ =	swait.ge [sflag:s17], $0x4000  }
0x57: {  	s2 =	sor.u32 s30, s2;
	[sflag:s17] =	ssyncset.done $0x0  }
0x58: {  	s31 =	sadd.s32 $0x80, s28;
	s30 =	sshrl.u32 s2, $0x3;
	[sflag:s17] =	ssyncadd.s32 $0xFFFFC000  }
0x59: {  	[tilespmem:s21], [sflag:$0x3] =	stream.indirect.gather [hbm4b:s1+s19], $0x80, s31, s19, $0xb8;
	[tilespmem:$0x1E900] =	vst v63  }
0x5a: {  	s2 =	sadd.s32 s6, s30  }
0x5b: {  	[tilespmem:s15], [sflag:$0x5] =	stream.linear.gather [hbm4b:s2+s4], $0x80, $0x38;
	[tilespmem:$0x1E900] =	vst v63  }
0x5c: {  	_ =	swait.ge [sflag:s22], $0x4000  }
0x5d: {  	[sflag:s22] =	ssyncset.done $0x0  }
0x5e: {  	[sflag:s22] =	ssyncadd.s32 $0xFFFFC000  }
0x5f: {  	_ =	swait.ge [sflag:s23], $0x80  }
0x60: {  	[sflag:s23] =	ssyncset.done $0x0  }
0x61: {  	[sflag:s23] =	ssyncadd.s32 $0xFFFFFF80  }
0x62: {  	[spmem:s3] =	stream.indirect.scatter.add.f32 [tilespmem:s20], [sflag:$0x6], $0x80, s14, s19, $0xb8;
	[tilespmem:$0x1E900] =	vst v63  }
0x63: {  	_ =	swait.ge [sflag:s17], $0x4000  }
0x64: {  	[sflag:s17] =	ssyncset.done $0x0  }
0x65: {  	[sflag:s17] =	ssyncadd.s32 $0xFFFFC000  }
0x66: {  	_ =	swait.ge [sflag:s24], $0x4000  }
0x67: {  	[sflag:s24] =	ssyncset.done $0x0  }
0x68: {  	[sflag:s24] =	ssyncadd.s32 $0xFFFFC000  }
0x69: {  	_ =	swait.ge [sflag:s25], $0x80  }
0x6a: {  	[sflag:s25] =	ssyncset.done $0x0  }
0x6b: {  	[sflag:s25] =	ssyncadd.s32 $0xFFFFFF80  }
0x6c: {  	[spmem:s3] =	stream.indirect.scatter.add.f32 [tilespmem:s21], [sflag:$0x6], $0x80, s15, s19, $0xb8;
	[tilespmem:$0x1E900] =	vst v63  }
0x6d: {  	_ =	swait.ge [sflag:s17], $0x4000  }
0x6e: {  	s26 =	sadd.s32 $0x1, s26;
	[sflag:s17] =	ssyncset.done $0x0  }
0x6f: {  	p0 =	sne.s32 s26, s12;
	[sflag:s17] =	ssyncadd.s32 $0xFFFFC000  }
.Ltmp1:
0x70: {  	[bflag:$0x0] =	sbarrier.arrive $0xFFFF;
	(pc) =	sbr.rel @p0 .LBB2_1-.Ltmp1, $4  }
0x71: {  	[hbm:s13], [sflag:s11] =	dma.local [spmem:s16], $0x2800  }
0x72: {  	_ =	swait.ge [sflag:s17], $0x2800  }
0x73: {  	[sflag:s17] =	ssyncset.done $0x0  }
0x74: {  	[sflag:s17] =	ssyncadd.s32 $0xFFFFD800  }
0x75: {  	_ =	sfence.sel $0x180000  }
0x76: {  	[bflag:$0x0] =	sbarrier.arrive $0xFFFF  }
0x77: {  	_ =	strace $0x9000004D  }
0x78: {  	[bflag:$0x2] =	sbarrier.arrive $0xFFFF  }
0x79: {  	p0 =	sne.s32 s0, $0x0;
	s0 =	rddreg [dreg:$0x3]  }
0x7a: {  	s0 =	sadd.s32 @!p0 $0x100000, s0  }
0x7b: {  	[sflag:s0] =	ssyncadd.tile.s32 @!p0 $0x1;
	_ =	shalt  }
.Lfunc_end2:
_tile_overlayer_lowered:
.L_overlay_start_2:
0x7c: {  	(tag) =	ssettag $0x2  }
0x7d: {  	s0 =	rddreg [dreg:$0x0];
	s2 =	stileid.u32  }
0x7e: {  	s1 =	rddreg [dreg:$0x1];
	p0 =	sne.s32 s2, $0x0  }
0x7f: {  	s3 =	rddreg [dreg:$0x2];
	[bflag:$0x3] =	sbarrier.arrive $0xFFFF;
	s2 =	simm.s32 @!p0 $0x1C06  }
0x80: {  	[timem:s3], [sflag:s2] =	dma.local @!p0 [hbm:s0], s1  }
0x81: {  	s0 =	simm.s32 @!p0 $0x6  }
0x82: {  	_ =	swait.ge @!p0 [sflag:s0], s1  }
0x83: {  	s1 =	ssub.s32 @!p0 $0x0, s1;
	[sflag:s0] =	ssyncset.done @!p0 $0x0  }
0x84: {  	[sflag:s0] =	ssyncadd.s32 @!p0 s1  }
0x85: {  	[bflag:$0x3] =	sbarrier.arrive $0xFFFF  }
0x86: {  	_ =	shalt  }

// kernel: kernel.8.cloned.1.call-start
scs
__scs_entry_jumppad:
0x0: {  	(pc) =	sbr.rel $0x88, $3  }
0x1: {  	(tag) =	ssettag $0x0;
	lr =	simm.s32 $0x1  }
0x2: {  	[smem:$0x3F9D] =	sst lr;
	_ =	strace $0xD0000000  }
0x3: {  	_ = 	snop  }
0x4: {  	_ = 	snop  }
0x5: {  	_ = 	snop  }
0x6: {  	_ = 	snop  }
0x7: {  	_ = 	snop  }
__scs_overlays_trampoline_lowered:
0x8: {  	[smem:$0x3FAC] =	sst s0  }
0x9: {  	[smem:$0x3FAD] =	sst s1  }
0xa: {  	[smem:$0x3FAE] =	sst s2  }
0xb: {  	[smem:$0x3FAF] =	sst s3  }
0xc: {  	[smem:$0x3FB0] =	sst s4  }
0xd: {  	[smem:$0x3FB1] =	sst s5  }
0xe: {  	[smem:$0x3FB2] =	sst s6  }
0xf: {  	[smem:$0x3FB3] =	sst s7  }
0x10: {  	[smem:$0x3FB4] =	sst s8  }
0x11: {  	[smem:$0x3FB5] =	sst s9;
	s0 =	simm.s32 @!p0 $0x0  }
0x12: {  	s1 =	sld [smem:$0x3F9B];
	s0 =	simm.s32 @p0 $0x1  }
0x13: {  	[smem:$0x3FB6] =	sst s0;
	s0 =	simm.s32 @!p1 $0x0  }
0x14: {  	s2 =	sld [smem:$0x3F9A];
	s0 =	simm.s32 @p1 $0x1  }
0x15: {  	[smem:$0x3FB7] =	sst s0;
	s0 =	simm.s32 @!p2 $0x0  }
0x16: {  	s3 =	sld [smem:$0x3FDB];
	s0 =	simm.s32 @p2 $0x1  }
0x17: {  	s4 =	simm.s32 $0x1BF5;
	[smem:$0x3FB9] =	sst s0  }
0x18: {  	s0 =	sld [smem:$0x3F9C];
	_ =	swait.ge [sflag:s4], $0x0  }
0x19: {  	s7 =	sld [smem:$0x3F9D]  }
0x1a: {  	s8 =	sadd.s32 $0xFFFFE003, lr  }
0x1b: {  	s9 =	sadd.s32 $0xFFFFFEF7, lr;
	s5 =	simm.s32 $0xFFFFFFFF;
	p2 =	slt.u32 s8, $0xFFFFF086  }
0x1c: {  	p1 =	slt.u32 s9, $0xF7A;
	s5 =	simm.s32 @!p2 $0x0  }
0x1d: {  	s5 =	simm.s32 @p1 $0x1;
	p0 =	seq.s32 s7, s2  }
0x1e: {  	s7 =	smul.u32 @!p0 $0xF7A, s2;
	p2 =	seq.s32 @!p0 s5, $0x0  }
0x1f: {  	s9 =	smul.u32 $0xF7A, s1;
	s8 =	simm.s32 @!p0 $0x1BF5;
	p2 =	por !p2, p0  }
0x20: {  	[sflag:s8] =	ssyncset.s32 @!p0 $0xFFFFF086;
	s6 =	sadd.s32 @!p0 s3, s7;
	s7 =	simm.s32 @!p0 $0x108  }
0x21: {  	s3 =	sadd.s32 s3, s9;
	s6 =	sadd.s32 @!p0 $0x88, s6;
	s7 =	simm.s32 @p2 $0x1082  }
0x22: {  	[simem:s7], [sflag:s8] =	dma.local @!p0 [hbm:s6], $0xF7A  }
0x23: {  	s9 =	sor.u32 $0xD0000000, s2;
	s6 =	simm.s32 $0x108;
	_ =	swait.ge @!p0 [sflag:s8], $0x0  }
0x24: {  	s3 =	sadd.s32 $0x88, s3;
	s6 =	simm.s32 @!p1 $0x1082;
	[sflag:s4] =	ssyncset.s32 $0xFFFFF086  }
0x25: {  	[simem:s6], [sflag:s4] =	dma.local [hbm:s3], $0xF7A  }
0x26: {  	[smem:$0x3F9D] =	sst s1;
	(tag) =	ssettag s2;
	_ =	strace s9  }
0x27: {  	s1 =	sld [smem:$0x3FAD]  }
0x28: {  	s2 =	sld [smem:$0x3FAE]  }
0x29: {  	s4 =	sld [smem:$0x3FB0]  }
0x2a: {  	p0 =	seq.s32 s5, $0x0;
	s5 =	sld [smem:$0x3FB1]  }
0x2b: {  	s6 =	sld [smem:$0x3FB2]  }
0x2c: {  	s7 =	sld [smem:$0x3FB3]  }
0x2d: {  	s3 =	simm.s32 $0x108;
	s8 =	sld [smem:$0x3FB4]  }
0x2e: {  	s3 =	simm.s32 @!p0 $0x1082;
	s9 =	sld [smem:$0x3FB5]  }
0x2f: {  	lr =	sadd.s32 s0, s3;
	s0 =	sld [smem:$0x3FAC]  }
0x30: {  	s3 =	sld [smem:$0x3FAF]  }
0x31: {  	[smem:$0x3FB8] =	sst s10  }
0x32: {  	s10 =	sld [smem:$0x3FB6];
	_ =	sdelay $0x3  }
0x33: {  	p0 =	seq.s32 s10, $0x1;
	s10 =	sld [smem:$0x3FB8];
	_ =	sdelay $0x3  }
0x34: {  	[smem:$0x3FB8] =	sst s10  }
0x35: {  	s10 =	sld [smem:$0x3FB7];
	_ =	sdelay $0x3  }
0x36: {  	p1 =	seq.s32 s10, $0x1;
	s10 =	sld [smem:$0x3FB8];
	_ =	sdelay $0x3  }
0x37: {  	[smem:$0x3FB8] =	sst s10  }
0x38: {  	s10 =	sld [smem:$0x3FB9]  }
0x39: {  	_ = 	snop;
	(pc) =	sbr.ind lr, $3  }
0x3a: {  	_ = 	snop  }
0x3b: {  	_ = 	snop  }
0x3c: {  	p2 =	seq.s32 s10, $0x1;
	s10 =	sld [smem:$0x3FB8]  }
0x3d: {  	_ =	shalt  }
0x3e: {  	_ =	shalt  }
0x3f: {  	_ =	shalt  }
0x40: {  	_ =	shalt  }
0x41: {  	_ =	shalt  }
0x42: {  	_ =	shalt  }
0x43: {  	_ =	shalt  }
0x44: {  	_ =	shalt  }
0x45: {  	_ =	shalt  }
0x46: {  	_ =	shalt  }
0x47: {  	_ =	shalt  }
0x48: {  	_ =	shalt  }
0x49: {  	_ =	shalt  }
0x4a: {  	_ =	shalt  }
0x4b: {  	_ =	shalt  }
0x4c: {  	_ =	shalt  }
0x4d: {  	_ =	shalt  }
0x4e: {  	_ =	shalt  }
0x4f: {  	_ =	shalt  }
0x50: {  	_ =	shalt  }
0x51: {  	_ =	shalt  }
0x52: {  	_ =	shalt  }
0x53: {  	_ =	shalt  }
0x54: {  	_ =	shalt  }
0x55: {  	_ =	shalt  }
0x56: {  	_ =	shalt  }
0x57: {  	_ =	shalt  }
0x58: {  	_ =	shalt  }
0x59: {  	_ =	shalt  }
0x5a: {  	_ =	shalt  }
0x5b: {  	_ =	shalt  }
0x5c: {  	_ =	shalt  }
0x5d: {  	_ =	shalt  }
0x5e: {  	_ =	shalt  }
0x5f: {  	_ =	shalt  }
0x60: {  	_ =	shalt  }
0x61: {  	_ =	shalt  }
0x62: {  	_ =	shalt  }
0x63: {  	_ =	shalt  }
0x64: {  	_ =	shalt  }
0x65: {  	_ =	shalt  }
0x66: {  	_ =	shalt  }
0x67: {  	_ =	shalt  }
0x68: {  	_ =	shalt  }
0x69: {  	_ =	shalt  }
0x6a: {  	_ =	shalt  }
0x6b: {  	_ =	shalt  }
0x6c: {  	_ =	shalt  }
0x6d: {  	_ =	shalt  }
0x6e: {  	_ =	shalt  }
0x6f: {  	_ =	shalt  }
0x70: {  	_ =	shalt  }
0x71: {  	_ =	shalt  }
0x72: {  	_ =	shalt  }
0x73: {  	_ =	shalt  }
0x74: {  	_ =	shalt  }
0x75: {  	_ =	shalt  }
0x76: {  	_ =	shalt  }
0x77: {  	_ =	shalt  }
0x78: {  	_ =	shalt  }
0x79: {  	_ =	shalt  }
0x7a: {  	_ =	shalt  }
0x7b: {  	_ =	shalt  }
0x7c: {  	_ =	shalt  }
0x7d: {  	_ =	shalt  }
0x7e: {  	_ =	shalt  }
0x7f: {  	_ =	shalt  }
0x80: {  	_ =	shalt  }
0x81: {  	_ =	shalt  }
0x82: {  	_ =	shalt  }
0x83: {  	_ =	shalt  }
0x84: {  	_ =	shalt  }
0x85: {  	_ =	shalt  }
0x86: {  	_ =	shalt  }
0x87: {  	_ =	shalt  }
.Lfunc_end0:
.L_simem_size_0:
called_computation_lowered:
.L_overlay_start_0:
0x88: {  	s2 =	sld [smem:$0x3FD9]  }
0x89: {  	s3 =	sld [smem:$0x3FFE];
	_ =	sdelay $0x1  }
0x8a: {  	s1 =	srdreg.scid  }
0x8b: {  	s0 =	sand.u32 $0x1, s1  }
0x8c: {  	s17 =	sshll.u32 s0, $0xA;
	s2 =	sadd.s32 s3, s2  }
0x8d: {  	s2 =	sadd.s32 s2, s17  }
0x8e: {  	[smem:$0x3FC4] =	sst s2  }
0x8f: {  	_ = 	snop  }
0x90: {  	s2 =	sld [smem:$0x3FD0];
	(tm) =	ssettm $0x1  }
0x91: {  	s18 =	sld [smem:$0x3FFB];
	_ =	sdelay $0x3  }
0x92: {  	_ =	strace s18  }
0x93: {  	s3 =	sld [smem:$0x3FFC];
	_ =	sdelay $0x3  }
0x94: {  	_ =	strace s3  }
0x95: {  	s3 =	sld [smem:$0x3FFD];
	_ =	sdelay $0x3  }
0x96: {  	_ =	strace s3  }
0x97: {  	_ =	strace $0x8FFFFFFF  }
0x98: {  	s19 =	sld [smem:$0x3FDB];
	_ =	sdelay $0x1  }
0x99: {  	s4 =	simm.s32 $_scs_section_size  }
0x9a: {  	s5 =	simm.s32 $_size__tile_overlayer_lowered;
	s6 =	simm.s32 $_tile_overlayer_lowered  }
0x9b: {  	s22 =	simm.s32 $0x1BFF;
	s21 =	sshll.u32 s6, $0x1;
	s3 =	sadd.s32 s4, s19  }
0x9c: {  	s7 =	simm.s32 $0x0;
	s20 =	sshll.u32 s5, $0x1;
	s5 =	sadd.s32 s21, s3  }
0x9d: {  	[timem:s7], [sflag:s22] =	dma.local [hbm:s5], s20  }
0x9e: {  	_ =	swait.ge [sflag:s22], s20  }
0x9f: {  	s4 =	ssub.s32 $0x0, s20;
	[sflag:s22] =	ssyncset.done $0x0  }
0xa0: {  	[sflag:s22] =	ssyncadd.s32 s4;
	_ =	sdelay $0x1  }
0xa1: {  	s23 =	simm.s32 $0x1B8B  }
0xa2: {  	_ =	swait.ge [sflag:s23], $0x1  }
0xa3: {  	[sflag:s23] =	ssyncset.done $0x0  }
0xa4: {  	s25 =	simm.s32 $0x1B8E;
	s24 =	sld [smem:$0x3FFE];
	[sflag:s23] =	ssyncadd.s32 $0xFFFFFFFF  }
0xa5: {  	s26 =	simm.s32 $execute0_lowered;
	[smem:$0x3FD2] =	sst s25  }
0xa6: {  	s5 =	sshll.u32 s26, $0x1;
	_ =	strace $0x80000046;
	[dreg:$0x1] =	wrdreg $0xFFFFFFFF  }
0xa7: {  	s28 =	simm.s32 $_size_execute0_lowered;
	s3 =	sadd.s32 s3, s5;
	[dreg:$0x0] =	wrdreg $0x0  }
0xa8: {  	s5 =	sshll.u32 s28, $0x1;
	[dreg:$0x2] =	wrdreg s3  }
0xa9: {  	[dreg:$0x3] =	wrdreg s5  }
0xaa: {  	[dreg:$0x4] =	wrdreg $0xC0  }
0xab: {  	_ =	task [dreg:s7], $0x5FFFF  }
0xac: {  	[dreg:$0x1] =	wrdreg $0xFFFFFFFF  }
0xad: {  	[dreg:$0x0] =	wrdreg $0x60  }
0xae: {  	[dreg:$0x2] =	wrdreg s24  }
0xaf: {  	[dreg:$0x3] =	wrdreg s2  }
0xb0: {  	[dreg:$0x4] =	wrdreg $0x28800  }
0xb1: {  	[dreg:$0x5] =	wrdreg $0x9  }
0xb2: {  	_ =	task.clear_ibuf [dreg:s7], $0x6FFFF;
	_ =	strace $0x90000046  }
0xb3: {  	s29 =	simm.s32 $0x9;
	_ =	strace $0x80000048  }
0xb4: {  	_ =	swait.ge [sflag:s29], $0x1  }
0xb5: {  	[sflag:s29] =	ssyncadd.s32 $0xFFFFFFFF  }
0xb6: {  	_ =	strace $0x90000048  }
0xb7: {  	_ =	sfence  }
0xb8: {  	s30 =	sld [smem:$0x0];
	_ =	sdelay $0x2  }
0xb9: {  	s31 =	sshll.u32 s1, $0xD;
	s1 =	sshrl.u32 s1, $0x2  }
0xba: {  	s3 =	sand.u32 $0x4000, s31;
	s1 =	sadd.s32 s1, s30  }
0xbb: {  	s0 =	sor.u32 s3, s0;
	s1 =	sshll.u32 s1, $0x11  }
0xbc: {  	s0 =	sor.u32 s1, s0  }
0xbd: {  	s0 =	sadd.s32 $0x8F2B, s0  }
0xbe: {  	[sflag:s0] =	ssyncadd.remote.s32 $0x1  }
0xbf: {  	_ =	sfence.sel $0xFFFF  }
0xc0: {  	[dreg:$0x0] =	wrdreg $0xFFFFFFFF;
	(pc) =	sbr.abs _section_cstart, $3  }
0xc1: {  	[dreg:$0x1] =	wrdreg $0xFFFFFFFF  }
0xc2: {  	_ =	task.clear_ibuf [dreg:s7], $0x2FFFF;
	_ =	strace $0x9FFFFFFF  }
0xc3: {  	(tm) =	ssettm $0x7FFFFFFF  }
tec
execute0_lowered:
.L_overlay_start_1:
0x0: {  	(tag) =	ssettag $0x1  }
0x1: {  	s6 =	rddreg [dreg:$0x0]  }
0x2: {  	s1 =	srdreg.scid;
	s9 =	rddreg [dreg:$0x1]  }
0x3: {  	s0 =	stileid.u32;
	s2 =	rddreg [dreg:$0x2]  }
0x4: {  	s3 =	simm.s32 $0x0;
	s8 =	sand.u32 $0x1, s1;
	s1 =	rddreg [dreg:$0x3]  }
0x5: {  	s14 =	simm.s32 $0x0;
	s29 =	sshll.u32 s0, $0x1;
	[smem:$0x7FF] =	sst s3  }
0x6: {  	s11 =	smul.u32 $0x280, s0;
	s5 =	sadd.s32 $0x16A00, s6;
	s12 =	sadd.s32 $0x16C00, s6  }
0x7: {  	s31 =	sshll.u32 s0, $0x6;
	s4 =	sor.u32 s8, s29;
	_ =	strace $0x80000047  }
0x8: {  	s10 =	ssub.s32 $0x2, s8;
	p0 =	seq.s32 s8, $0x1;
	s4 =	smul.u32 $0x500, s4  }
0x9: {  	s30 =	sshrl.u32 s10, $0x1;
	s13 =	sadd.s32 s11, s2;
	s11 =	sshrl.u32 s11, $0x3  }
0xa: {  	s9 =	smov.u32 @p0 s12;
	s12 =	simm.s32 $0x80;
	s10 =	ssub.s32 s10, s30  }
0xb: {  	s9 =	sadd.s32 s9, s11;
	s11 =	simm.s32 $0x2;
	s7 =	sadd.s32 s4, s6  }
0xc: {  	s4 =	sadd.s32 $0x16800, s6;
	s6 =	sor.u32 $0x1C02, s31;
	s8 =	smax.u32 s10, $0x1  }
0xd: {  	s10 =	sshrl.u32 s13, $0x3;
	s13 =	simm.s32 $0x1;
	s7 =	sadd.s32 $0x2800, s7  }
.LBB2_1:
0xe: {  	[spmem:s10], [sflag:s6] =	dma.local [hbm:s5], $0x50  }
0xf: {  	_ =	swait.ge [sflag:s11], $0x50  }
0x10: {  	[sflag:s11] =	ssyncset.done $0x0  }
0x11: {  	[sflag:s11] =	ssyncadd.s32 $0xFFFFFFB0  }
0x12: {  	[tilespmem:s3], [sflag:$0x2] =	stream.linear.gather [hbm4b:s4+s3], $0x80, $0x38;
	[tilespmem:$0x2B00] =	vst v63  }
0x13: {  	_ =	swait.ge [sflag:s11], $0x80  }
0x14: {  	[sflag:s11] =	ssyncset.done $0x0  }
0x15: {  	[sflag:s11] =	ssyncadd.s32 $0xFFFFFF80  }
0x16: {  	[tilespmem:s12], [sflag:$0x2] =	stream.linear.gather [hbm4b:s7+s3], $0x2800, $0x38;
	[tilespmem:$0x2B00] =	vst v63  }
0x17: {  	_ =	swait.ge [sflag:s11], $0x2800  }
0x18: {  	[sflag:s11] =	ssyncset.done $0x0  }
0x19: {  	[sflag:s11] =	ssyncadd.s32 $0xFFFFD800  }
0x1a: {  	s15 =	simm.s32 $0x80;
	[bflag:$0x0] =	sbarrier.arrive $0xFFFF  }
0x1b: {  	[spmem:s2] =	stream.indirect.scatter.add.f32 [tilespmem:s3], [sflag:$0x1], $0x1, s15, s12, $0xb8;
	[tilespmem:$0x2B00] =	vst v63  }
0x1c: {  	s24 =	simm.s32 $0x100  }
0x1d: {  	[spmem:s2] =	stream.indirect.scatter.add.f32 [tilespmem:s3], [sflag:$0x1], $0x1, s24, s12, $0xb8;
	[tilespmem:$0x2B00] =	vst v63  }
0x1e: {  	s25 =	simm.s32 $0x180  }
0x1f: {  	[spmem:s2] =	stream.indirect.scatter.add.f32 [tilespmem:s3], [sflag:$0x1], $0x1, s25, s12, $0xb8;
	[tilespmem:$0x2B00] =	vst v63  }
0x20: {  	s26 =	simm.s32 $0x200  }
0x21: {  	[spmem:s2] =	stream.indirect.scatter.add.f32 [tilespmem:s3], [sflag:$0x1], $0x1, s26, s12, $0xb8;
	[tilespmem:$0x2B00] =	vst v63  }
0x22: {  	s28 =	simm.s32 $0x280  }
0x23: {  	[spmem:s2] =	stream.indirect.scatter.add.f32 [tilespmem:s3], [sflag:$0x1], $0x1, s28, s12, $0xb8;
	[tilespmem:$0x2B00] =	vst v63  }
0x24: {  	s29 =	simm.s32 $0x300  }
0x25: {  	[spmem:s2] =	stream.indirect.scatter.add.f32 [tilespmem:s3], [sflag:$0x1], $0x1, s29, s12, $0xb8;
	[tilespmem:$0x2B00] =	vst v63  }
0x26: {  	s30 =	simm.s32 $0x380  }
0x27: {  	[spmem:s2] =	stream.indirect.scatter.add.f32 [tilespmem:s3], [sflag:$0x1], $0x1, s30, s12, $0xb8;
	[tilespmem:$0x2B00] =	vst v63  }
0x28: {  	s31 =	simm.s32 $0x400  }
0x29: {  	[spmem:s2] =	stream.indirect.scatter.add.f32 [tilespmem:s3], [sflag:$0x1], $0x1, s31, s12, $0xb8;
	[tilespmem:$0x2B00] =	vst v63  }
0x2a: {  	_ =	swait.ge [sflag:s13], $0x80  }
0x2b: {  	[sflag:s13] =	ssyncset.done $0x0  }
0x2c: {  	[sflag:s13] =	ssyncadd.s32 $0xFFFFFF80  }
0x2d: {  	_ =	swait.ge [sflag:s13], $0x80  }
0x2e: {  	[sflag:s13] =	ssyncset.done $0x0  }
0x2f: {  	[sflag:s13] =	ssyncadd.s32 $0xFFFFFF80  }
0x30: {  	_ =	swait.ge [sflag:s13], $0x80  }
0x31: {  	[sflag:s13] =	ssyncset.done $0x0  }
0x32: {  	[sflag:s13] =	ssyncadd.s32 $0xFFFFFF80  }
0x33: {  	_ =	swait.ge [sflag:s13], $0x80  }
0x34: {  	[sflag:s13] =	ssyncset.done $0x0  }
0x35: {  	[sflag:s13] =	ssyncadd.s32 $0xFFFFFF80  }
0x36: {  	_ =	swait.ge [sflag:s13], $0x80  }
0x37: {  	[sflag:s13] =	ssyncset.done $0x0  }
0x38: {  	[sflag:s13] =	ssyncadd.s32 $0xFFFFFF80  }
0x39: {  	_ =	swait.ge [sflag:s13], $0x80  }
0x3a: {  	[sflag:s13] =	ssyncset.done $0x0  }
0x3b: {  	[sflag:s13] =	ssyncadd.s32 $0xFFFFFF80  }
0x3c: {  	_ =	swait.ge [sflag:s13], $0x80  }
0x3d: {  	[sflag:s13] =	ssyncset.done $0x0  }
0x3e: {  	[sflag:s13] =	ssyncadd.s32 $0xFFFFFF80  }
0x3f: {  	_ =	swait.ge [sflag:s13], $0x80  }
0x40: {  	s18 =	simm.s32 $0x2000;
	s17 =	simm.s32 $0x400;
	[sflag:s13] =	ssyncset.done $0x0  }
.LBB2_2:
0x41: {  	s19 =	sadd.s32 $0x80, s17  }
0x42: {  	[sflag:s13] =	ssyncadd.s32 $0xFFFFFF80;
	s16 =	smov.u32 s18;
	s15 =	sadd.s32 $0x1000, s18  }
0x43: {  	[spmem:s2] =	stream.indirect.scatter.add.f32 [tilespmem:s3], [sflag:$0x1], $0x1, s19, s12, $0xb8;
	[tilespmem:$0x2B00] =	vst v63  }
0x44: {  	p0 =	sne.s32 s18, $0x9000;
	s18 =	sadd.s32 $0x100, s17  }
0x45: {  	[spmem:s2] =	stream.indirect.scatter.add.f32 [tilespmem:s3], [sflag:$0x1], $0x1, s18, s12, $0xb8;
	[tilespmem:$0x2B00] =	vst v63  }
0x46: {  	s18 =	sadd.s32 $0x180, s17  }
0x47: {  	[spmem:s2] =	stream.indirect.scatter.add.f32 [tilespmem:s3], [sflag:$0x1], $0x1, s18, s12, $0xb8;
	[tilespmem:$0x2B00] =	vst v63  }
0x48: {  	s18 =	sadd.s32 $0x200, s17  }
0x49: {  	[spmem:s2] =	stream.indirect.scatter.add.f32 [tilespmem:s3], [sflag:$0x1], $0x1, s18, s12, $0xb8;
	[tilespmem:$0x2B00] =	vst v63  }
0x4a: {  	s18 =	sadd.s32 $0x280, s17  }
0x4b: {  	[spmem:s2] =	stream.indirect.scatter.add.f32 [tilespmem:s3], [sflag:$0x1], $0x1, s18, s12, $0xb8;
	[tilespmem:$0x2B00] =	vst v63  }
0x4c: {  	s18 =	sadd.s32 $0x300, s17  }
0x4d: {  	[spmem:s2] =	stream.indirect.scatter.add.f32 [tilespmem:s3], [sflag:$0x1], $0x1, s18, s12, $0xb8;
	[tilespmem:$0x2B00] =	vst v63  }
0x4e: {  	s18 =	sadd.s32 $0x380, s17  }
0x4f: {  	[spmem:s2] =	stream.indirect.scatter.add.f32 [tilespmem:s3], [sflag:$0x1], $0x1, s18, s12, $0xb8;
	[tilespmem:$0x2B00] =	vst v63  }
0x50: {  	s17 =	sadd.s32 $0x400, s17  }
0x51: {  	[spmem:s2] =	stream.indirect.scatter.add.f32 [tilespmem:s3], [sflag:$0x1], $0x1, s17, s12, $0xb8;
	[tilespmem:$0x2B00] =	vst v63  }
0x52: {  	_ =	swait.ge [sflag:s13], $0x80  }
0x53: {  	[sflag:s13] =	ssyncset.done $0x0  }
0x54: {  	[sflag:s13] =	ssyncadd.s32 $0xFFFFFF80  }
0x55: {  	_ =	swait.ge [sflag:s13], $0x80  }
0x56: {  	[sflag:s13] =	ssyncset.done $0x0  }
0x57: {  	[sflag:s13] =	ssyncadd.s32 $0xFFFFFF80  }
0x58: {  	_ =	swait.ge [sflag:s13], $0x80  }
0x59: {  	[sflag:s13] =	ssyncset.done $0x0  }
0x5a: {  	[sflag:s13] =	ssyncadd.s32 $0xFFFFFF80  }
0x5b: {  	_ =	swait.ge [sflag:s13], $0x80  }
0x5c: {  	[sflag:s13] =	ssyncset.done $0x0  }
0x5d: {  	[sflag:s13] =	ssyncadd.s32 $0xFFFFFF80  }
0x5e: {  	_ =	swait.ge [sflag:s13], $0x80  }
0x5f: {  	[sflag:s13] =	ssyncset.done $0x0  }
0x60: {  	[sflag:s13] =	ssyncadd.s32 $0xFFFFFF80  }
0x61: {  	_ =	swait.ge [sflag:s13], $0x80  }
0x62: {  	[sflag:s13] =	ssyncset.done $0x0  }
0x63: {  	[sflag:s13] =	ssyncadd.s32 $0xFFFFFF80  }
.Ltmp0:
0x64: {  	_ =	swait.ge [sflag:s13], $0x80;
	(pc) =	sbr.rel @p0 .LBB2_2-.Ltmp0, $4  }
0x65: {  	[sflag:s13] =	ssyncset.done $0x0  }
0x66: {  	[sflag:s13] =	ssyncadd.s32 $0xFFFFFF80  }
0x67: {  	_ =	swait.ge [sflag:s13], $0x80  }
0x68: {  	s18 =	smov.u32 s15;
	s17 =	sshra.s32 s16, $0x2;
	[sflag:s13] =	ssyncset.done $0x0  }
0x69: {  	s15 =	sadd.s32 $0x80, s17;
	[sflag:s13] =	ssyncadd.s32 $0xFFFFFF80  }
0x6a: {  	[spmem:s2] =	stream.indirect.scatter.add.f32 [tilespmem:s3], [sflag:$0x1], $0x1, s15, s12, $0xb8;
	[tilespmem:$0x2B00] =	vst v63  }
0x6b: {  	s24 =	sadd.s32 $0x100, s17  }
0x6c: {  	[spmem:s2] =	stream.indirect.scatter.add.f32 [tilespmem:s3], [sflag:$0x1], $0x1, s24, s12, $0xb8;
	[tilespmem:$0x2B00] =	vst v63  }
0x6d: {  	s25 =	sadd.s32 $0x180, s17  }
0x6e: {  	[spmem:s2] =	stream.indirect.scatter.add.f32 [tilespmem:s3], [sflag:$0x1], $0x1, s25, s12, $0xb8;
	[tilespmem:$0x2B00] =	vst v63  }
0x6f: {  	s26 =	sadd.s32 $0x200, s17  }
0x70: {  	[spmem:s2] =	stream.indirect.scatter.add.f32 [tilespmem:s3], [sflag:$0x1], $0x1, s26, s12, $0xb8;
	[tilespmem:$0x2B00] =	vst v63  }
0x71: {  	s28 =	sadd.s32 $0x280, s17  }
0x72: {  	[spmem:s2] =	stream.indirect.scatter.add.f32 [tilespmem:s3], [sflag:$0x1], $0x1, s28, s12, $0xb8;
	[tilespmem:$0x2B00] =	vst v63  }
0x73: {  	s29 =	sadd.s32 $0x300, s17  }
0x74: {  	[spmem:s2] =	stream.indirect.scatter.add.f32 [tilespmem:s3], [sflag:$0x1], $0x1, s29, s12, $0xb8;
	[tilespmem:$0x2B00] =	vst v63  }
0x75: {  	s30 =	sadd.s32 $0x380, s17  }
0x76: {  	[spmem:s2] =	stream.indirect.scatter.add.f32 [tilespmem:s3], [sflag:$0x1], $0x1, s30, s12, $0xb8;
	[tilespmem:$0x2B00] =	vst v63  }
0x77: {  	s31 =	sadd.s32 $0x400, s17  }
0x78: {  	[spmem:s2] =	stream.indirect.scatter.add.f32 [tilespmem:s3], [sflag:$0x1], $0x1, s31, s12, $0xb8;
	[tilespmem:$0x2B00] =	vst v63  }
0x79: {  	_ =	swait.ge [sflag:s13], $0x80  }
0x7a: {  	[sflag:s13] =	ssyncset.done $0x0  }
0x7b: {  	[sflag:s13] =	ssyncadd.s32 $0xFFFFFF80  }
0x7c: {  	_ =	swait.ge [sflag:s13], $0x80  }
0x7d: {  	[sflag:s13] =	ssyncset.done $0x0  }
0x7e: {  	[sflag:s13] =	ssyncadd.s32 $0xFFFFFF80  }
0x7f: {  	_ =	swait.ge [sflag:s13], $0x80  }
0x80: {  	[sflag:s13] =	ssyncset.done $0x0  }
0x81: {  	[sflag:s13] =	ssyncadd.s32 $0xFFFFFF80  }
0x82: {  	_ =	swait.ge [sflag:s13], $0x80  }
0x83: {  	[sflag:s13] =	ssyncset.done $0x0  }
0x84: {  	[sflag:s13] =	ssyncadd.s32 $0xFFFFFF80  }
0x85: {  	_ =	swait.ge [sflag:s13], $0x80  }
0x86: {  	[sflag:s13] =	ssyncset.done $0x0  }
0x87: {  	[sflag:s13] =	ssyncadd.s32 $0xFFFFFF80  }
0x88: {  	_ =	swait.ge [sflag:s13], $0x80  }
0x89: {  	[sflag:s13] =	ssyncset.done $0x0  }
0x8a: {  	[sflag:s13] =	ssyncadd.s32 $0xFFFFFF80  }
0x8b: {  	_ =	swait.ge [sflag:s13], $0x80  }
0x8c: {  	[sflag:s13] =	ssyncset.done $0x0  }
0x8d: {  	[sflag:s13] =	ssyncadd.s32 $0xFFFFFF80  }
0x8e: {  	_ =	swait.ge [sflag:s13], $0x80  }
0x8f: {  	s14 =	sadd.s32 $0x1, s14;
	[sflag:s13] =	ssyncset.done $0x0  }
0x90: {  	p0 =	sne.s32 s14, s8;
	[sflag:s13] =	ssyncadd.s32 $0xFFFFFF80  }
.Ltmp1:
0x91: {  	[bflag:$0x0] =	sbarrier.arrive $0xFFFF;
	(pc) =	sbr.rel @p0 .LBB2_1-.Ltmp1, $4  }
0x92: {  	[hbm:s9], [sflag:s6] =	dma.local [spmem:s10], $0x50  }
0x93: {  	_ =	swait.ge [sflag:s11], $0x50  }
0x94: {  	[sflag:s11] =	ssyncset.done $0x0  }
0x95: {  	[sflag:s11] =	ssyncadd.s32 $0xFFFFFFB0  }
0x96: {  	_ =	sfence.sel $0x180000  }
0x97: {  	[bflag:$0x0] =	sbarrier.arrive $0xFFFF  }
0x98: {  	p0 =	sne.s32 s0, $0x0;
	_ =	strace $0x90000047  }
0x99: {  	s0 =	sadd.s32 @!p0 $0x100000, s1;
	[bflag:$0x2] =	sbarrier.arrive $0xFFFF  }
0x9a: {  	[sflag:s0] =	ssyncadd.tile.s32 @!p0 $0x1;
	_ =	shalt  }
.Lfunc_end2:
_tile_overlayer_lowered:
.L_overlay_start_2:
0x9b: {  	(tag) =	ssettag $0x2  }
0x9c: {  	s0 =	rddreg [dreg:$0x0];
	s2 =	stileid.u32  }
0x9d: {  	s1 =	rddreg [dreg:$0x1];
	p0 =	sne.s32 s2, $0x0  }
0x9e: {  	s3 =	rddreg [dreg:$0x2];
	[bflag:$0x3] =	sbarrier.arrive $0xFFFF;
	s2 =	simm.s32 @!p0 $0x1C02  }
0x9f: {  	[timem:s3], [sflag:s2] =	dma.local @!p0 [hbm:s0], s1  }
0xa0: {  	s0 =	simm.s32 @!p0 $0x2  }
0xa1: {  	_ =	swait.ge @!p0 [sflag:s0], s1  }
0xa2: {  	s1 =	ssub.s32 @!p0 $0x0, s1;
	[sflag:s0] =	ssyncset.done @!p0 $0x0  }
0xa3: {  	[sflag:s0] =	ssyncadd.s32 @!p0 s1  }
0xa4: {  	[bflag:$0x3] =	sbarrier.arrive $0xFFFF  }
0xa5: {  	_ =	shalt  }

</sc_bundles>
